<compile_context>
chip_gen: v7x
topology: tpu7x:2x2x1
jax: 0.10.2.dev20260603
libtpu: 0.0.44.dev20260713+nightly
codegen_flags: <defaults>
</compile_context>

<pallas_src>
import functools

import jax
import jax.numpy as jnp
from jax import lax
from jax.experimental import pallas as pl
from jax.experimental.pallas import tpu as pltpu
from jax.experimental.pallas import tpu_sc as plsc

_K_GROUPS = 64
_NG = 1024
_LANES = 16


def _sc_select(tokens):
    tg = tokens // _LANES
    mesh = plsc.VectorSubcoreMesh(core_axis_name="c", subcore_axis_name="s")
    info = plsc.get_sparse_core_info()
    nw = info.num_cores * info.num_subcores
    per_w = tg // nw

    @functools.partial(
        pl.kernel, mesh=mesh,
        out_type=jax.ShapeDtypeStruct((tg, _LANES), jnp.int32),
    )
    def sel(norms_hbm, thr_hbm):
        wid = lax.axis_index("s") * info.num_cores + lax.axis_index("c")

        def scoped(buf, thr_v):
            _sel_body(norms_hbm, thr_hbm, buf, thr_v, wid, per_w)

        pl.run_scoped(scoped,
                      pltpu.VMEM((_NG * _LANES,), jnp.float32),
                      pltpu.VMEM((_LANES,), jnp.int32))

    return sel


def _sel_body(norms_hbm, thr_hbm, buf, thr_v, wid, per_w):
    if True:
        for i in range(per_w):
            w = wid * per_w + i
            pltpu.sync_copy(norms_hbm.at[w], buf)

            def body(g, carry):
                lo_b, hi_b = carry
                return carry

            def step(_, carry):
                lo_b, hi_b = carry
                mid = lo_b + ((hi_b - lo_b) >> 1)

                def cnt_body(g, c):
                    v = jax.lax.bitcast_convert_type(
                        buf[pl.ds(g * _LANES, _LANES)], jnp.int32)
                    return c + jnp.where(v >= mid, 1, 0)

                cnt = lax.fori_loop(0, _NG, cnt_body,
                                    jnp.zeros((_LANES,), jnp.int32))
                ok = cnt >= _K_GROUPS
                return (jnp.where(ok, mid, lo_b), jnp.where(ok, hi_b, mid))

            lo0 = jnp.zeros((_LANES,), jnp.int32)
            hi0 = jnp.full((_LANES,), jnp.int32(0x7F800000))
            lo_f, _ = lax.fori_loop(0, 31, step, (lo0, hi0))
            thr_v[...] = lo_f
            pltpu.sync_copy(thr_v, thr_hbm.at[w])


def kernel(x, W_enc, W_dec, b_enc, b_dec):
    tokens, d_model = x.shape
    tg = tokens // _LANES
    norms3 = jnp.broadcast_to(
        x[:, :1].reshape(tg, 1, _LANES) * 1.7, (tg, _NG, _LANES)
    ) + jax.lax.broadcasted_iota(jnp.float32, (tg, _NG, _LANES), 1)
    norms3 = jnp.abs(norms3).reshape(tg, _NG * _LANES)
    thr = _sc_select(tokens)(norms3)
    out = jnp.broadcast_to(
        thr.reshape(tokens, 1).astype(jnp.float32), (tokens, d_model))
    return out

# --- scband reference (transcript-rebuilt; emitter-appended) ---
"""Pipeline reference for scband-local-batch-top-kmanifold-sae-18966575579195 (READ-ONLY COPY).

The authoritative reference and input builder live on the scoring server;
editing this copy changes nothing except your own understanding.
"""

import jax, jax.numpy as jnp
import numpy as np

N_GROUPS = 1024
GROUP_RANK = 16
K_GROUPS = 64
D_MODEL = 2048
TOKENS = 8192
D_SAE = N_GROUPS * GROUP_RANK


def setup_inputs(seed: int = 0) -> dict:
    key = jax.random.key(seed)
    ks = jax.random.split(key, 5)
    x = jax.random.normal(ks[0], (TOKENS, D_MODEL), dtype=jnp.float32)
    W_enc = jax.random.normal(ks[1], (D_MODEL, D_SAE), dtype=jnp.float32) * (1.0 / np.sqrt(D_MODEL))
    W_dec = jax.random.normal(ks[2], (D_SAE, D_MODEL), dtype=jnp.float32) * (1.0 / np.sqrt(D_SAE))
    b_enc = jnp.zeros((D_SAE,), dtype=jnp.float32)
    b_dec = jnp.zeros((D_MODEL,), dtype=jnp.float32)
    return {"x": x, "W_enc": W_enc, "W_dec": W_dec, "b_enc": b_enc, "b_dec": b_dec}


def reference(x, W_enc, W_dec, b_enc, b_dec):
    # encode
    pre_acts = x @ W_enc + b_enc
    groups = pre_acts.reshape(-1, N_GROUPS, GROUP_RANK)
    group_norms = jnp.sqrt(jnp.sum(jnp.square(groups.astype(jnp.float32)), axis=-1))
    # per-sample top-k mask over groups (topk_mode='per_sample', k < n_groups)
    _, topk_idx = jax.lax.top_k(group_norms, K_GROUPS)
    bsz = group_norms.shape[0]
    mask = jnp.zeros((bsz, N_GROUPS), dtype=jnp.float32)
    mask = mask.at[jnp.arange(bsz)[:, None], topk_idx].set(1.0)
    active_groups = groups * mask[..., None]
    feature_acts = active_groups.reshape(-1, N_GROUPS * GROUP_RANK)
    # decode (normalize_activations='none' so no LN un-normalization)
    sae_out = feature_acts @ W_dec + b_dec
    return sae_out

if __name__ == "__main__":
    import jax
    _d = setup_inputs()
    print(jax.jit(kernel)(*tuple(_d.values())))

</pallas_src>

<mosaic_0001>
#map = affine_map<(d0, d1) -> (0, 0)>
module attributes {stable_mosaic.version = 14 : i64} {
  func.func @sel(%arg0: i32, %arg1: i32, %arg2: memref<512x16384xf32, #tpu.memory_space<hbm>>, %arg3: memref<512x16xi32, #tpu.memory_space<hbm>>) attributes {dimension_semantics = [#tpu.dimension_semantics<core_parallel>, #tpu.dimension_semantics<subcore_parallel>], iteration_bounds = array<i64: 2, 16>, scalar_prefetch = 0 : i64, scratch_operands = 0 : i64, tpu.core_type = #tpu.core_type<sc_vector_subcore>, window_params = [{transform_indices = #map}, {transform_indices = #map}]} {
    %mul3A = arith.constant 2 : i32
    %mul3A_0 = arith.muli %arg1, %mul3A : i32
    %add3A = arith.addi %mul3A_0, %arg0 : i32
    "tpu.region"() ({
      %run_scoped3A = memref.alloca() : memref<16384xf32, #tpu.memory_space<vmem>>
      %run_scoped3A_1 = memref.alloca() : memref<16xi32, #tpu.memory_space<vmem>>
      %mul3A_2 = arith.constant 16 : i32
      %mul3A_3 = arith.muli %add3A, %mul3A_2 : i32
      %add3A_4 = arith.constant 0 : i32
      %add3A_5 = arith.addi %mul3A_3, %add3A_4 : i32
      "tpu.region"() ({
        %run_scoped3A_287 = tpu.sem_alloc : memref<!tpu.dma_semaphore, #tpu.memory_space<semaphore_mem>>
        %dma_start3A = arith.constant 0 : i32
        %dma_start3A_288 = tpu.memref_slice %arg2[%add3A_5, %dma_start3A] : memref<512x16384xf32, #tpu.memory_space<hbm>> -> memref<1x16384xf32, #tpu.memory_space<hbm>>
        %dma_start3A_289 = tpu.memref_squeeze %dma_start3A_288 : memref<1x16384xf32, #tpu.memory_space<hbm>> -> memref<16384xf32, #tpu.memory_space<hbm>>
        %dma_start3A_290 = arith.constant 0 : i32
        %dma_start3A_291 = tpu.memref_slice %arg2[%add3A_5, %dma_start3A_290] : memref<512x16384xf32, #tpu.memory_space<hbm>> -> memref<1x16384xf32, #tpu.memory_space<hbm>>
        %dma_start3A_292 = tpu.memref_squeeze %dma_start3A_291 : memref<1x16384xf32, #tpu.memory_space<hbm>> -> memref<16384xf32, #tpu.memory_space<hbm>>
        tpu.enqueue_dma source(%dma_start3A_292 : memref<16384xf32, #tpu.memory_space<hbm>>) target(%run_scoped3A : memref<16384xf32, #tpu.memory_space<vmem>>) target_semaphore(%run_scoped3A_287 : memref<!tpu.dma_semaphore, #tpu.memory_space<semaphore_mem>>)
        %dma_wait3A = arith.constant 0 : i32
        %dma_wait3A_293 = tpu.memref_slice %arg2[%add3A_5, %dma_wait3A] : memref<512x16384xf32, #tpu.memory_space<hbm>> -> memref<1x16384xf32, #tpu.memory_space<hbm>>
        %dma_wait3A_294 = tpu.memref_squeeze %dma_wait3A_293 : memref<1x16384xf32, #tpu.memory_space<hbm>> -> memref<16384xf32, #tpu.memory_space<hbm>>
        %dma_wait3A_295 = arith.constant 0 : i32
        %dma_wait3A_296 = tpu.memref_slice %arg2[%add3A_5, %dma_wait3A_295] : memref<512x16384xf32, #tpu.memory_space<hbm>> -> memref<1x16384xf32, #tpu.memory_space<hbm>>
        %dma_wait3A_297 = tpu.memref_squeeze %dma_wait3A_296 : memref<1x16384xf32, #tpu.memory_space<hbm>> -> memref<16384xf32, #tpu.memory_space<hbm>>
        tpu.wait_dma2 semaphore(%run_scoped3A_287 : memref<!tpu.dma_semaphore, #tpu.memory_space<semaphore_mem>>) src(%dma_wait3A_297 : memref<16384xf32, #tpu.memory_space<hbm>>) dst(%run_scoped3A : memref<16384xf32, #tpu.memory_space<vmem>>)
        tpu.yield
      }) : () -> ()
      %broadcast_in_dim3A = arith.constant 0 : i32
      %broadcast_in_dim3A_6 = vector.broadcast %broadcast_in_dim3A : i32 to vector<16xi32>
      %broadcast_in_dim3A_7 = arith.constant 2139095040 : i32
      %broadcast_in_dim3A_8 = vector.broadcast %broadcast_in_dim3A_7 : i32 to vector<16xi32>
      %scan3A = arith.constant 0 : i32
      %scan3A_9 = arith.constant 31 : i32
      %scan3A_10 = arith.addi %scan3A, %scan3A_9 : i32
      %scan3A_11 = arith.constant 1 : i32
      %scan3A_12:2 = scf.for %scan3A_287 = %scan3A to %scan3A_10 step %scan3A_11 iter_args(%scan3A_288 = %broadcast_in_dim3A_6, %scan3A_289 = %broadcast_in_dim3A_8) -> (vector<16xi32>, vector<16xi32>)  : i32 {
        %sub3A = arith.subi %scan3A_289, %scan3A_288 : vector<16xi32>
        %shift_right_arithmetic3A = arith.constant 1 : i32
        %shift_right_arithmetic3A_290 = vector.broadcast %shift_right_arithmetic3A : i32 to vector<16xi32>
        %shift_right_arithmetic3A_291 = arith.shrsi %sub3A, %shift_right_arithmetic3A_290 : vector<16xi32>
        %add3A_292 = arith.addi %scan3A_288, %shift_right_arithmetic3A_291 : vector<16xi32>
        %broadcast_in_dim3A_293 = arith.constant 0 : i32
        %broadcast_in_dim3A_294 = vector.broadcast %broadcast_in_dim3A_293 : i32 to vector<16xi32>
        %scan3A_295 = arith.constant 0 : i32
        %scan3A_296 = arith.constant 1024 : i32
        %scan3A_297 = arith.addi %scan3A_295, %scan3A_296 : i32
        %scan3A_298 = arith.constant 1 : i32
        %scan3A_299 = scf.for %scan3A_304 = %scan3A_295 to %scan3A_297 step %scan3A_298 iter_args(%scan3A_305 = %broadcast_in_dim3A_294) -> (vector<16xi32>)  : i32 {
          %mul3A_306 = arith.constant 16 : i32
          %mul3A_307 = arith.muli %scan3A_304, %mul3A_306 : i32
          %get3A = arith.index_cast %mul3A_307 : i32 to index
          %get3A_308 = tpu.vector_load %run_scoped3A[%get3A] {strides = array<i32>} : memref<16384xf32, #tpu.memory_space<vmem>>, vector<16xf32>,
          %get3A_309 = vector.shape_cast %get3A_308 : vector<16xf32> to vector<16xf32>
          %bitcast_convert_type3A = tpu.bitcast %get3A_309 : vector<16xf32> -> vector<16xi32>
          %ge3A_310 = arith.cmpi sge, %bitcast_convert_type3A, %add3A_292 : vector<16xi32>
          %jit3A = arith.constant 1 : i32
          %jit3A_311 = arith.constant 0 : i32
          %broadcast_in_dim3A_312 = vector.broadcast %jit3A : i32 to vector<16xi32>
          %broadcast_in_dim3A_313 = vector.broadcast %jit3A_311 : i32 to vector<16xi32>
          %select_n3A_314 = arith.select %ge3A_310, %broadcast_in_dim3A_312, %broadcast_in_dim3A_313 : vector<16xi1>, vector<16xi32>
          %add3A_315 = arith.addi %scan3A_305, %select_n3A_314 : vector<16xi32>
          scf.yield %add3A_315 : vector<16xi32>
        }
        %scan3A_300 = arith.constant 1024 : i32
        %ge3A = arith.constant 64 : i32
        %ge3A_301 = vector.broadcast %ge3A : i32 to vector<16xi32>
        %ge3A_302 = arith.cmpi sge, %scan3A_299, %ge3A_301 : vector<16xi32>
        %select_n3A = arith.select %ge3A_302, %add3A_292, %scan3A_288 : vector<16xi1>, vector<16xi32>
        %select_n3A_303 = arith.select %ge3A_302, %scan3A_289, %add3A_292 : vector<16xi1>, vector<16xi32>
        scf.yield %select_n3A, %select_n3A_303 : vector<16xi32>, vector<16xi32>
      }
      %scan3A_13 = arith.constant 31 : i32
      %swap3A = arith.constant 0 : index
      %swap3A_14 = tpu.vector_load %run_scoped3A_1[%swap3A] {strides = array<i32>} : memref<16xi32, #tpu.memory_space<vmem>>, vector<16xi32>,
      %swap3A_15 = vector.shape_cast %swap3A_14 : vector<16xi32> to vector<16xi32>
      %swap3A_16 = vector.shape_cast %scan3A_12#0 : vector<16xi32> to vector<16xi32>
      tpu.vector_store %run_scoped3A_1[%swap3A], %swap3A_16 {strides = array<i32>} : memref<16xi32, #tpu.memory_space<vmem>>, vector<16xi32>,
      "tpu.region"() ({
        %run_scoped3A_287 = tpu.sem_alloc : memref<!tpu.dma_semaphore, #tpu.memory_space<semaphore_mem>>
        %dma_start3A = arith.constant 0 : i32
        %dma_start3A_288 = tpu.memref_slice %arg3[%add3A_5, %dma_start3A] : memref<512x16xi32, #tpu.memory_space<hbm>> -> memref<1x16xi32, #tpu.memory_space<hbm>>
        %dma_start3A_289 = tpu.memref_squeeze %dma_start3A_288 : memref<1x16xi32, #tpu.memory_space<hbm>> -> memref<16xi32, #tpu.memory_space<hbm>>
        %dma_start3A_290 = arith.constant 0 : i32
        %dma_start3A_291 = tpu.memref_slice %arg3[%add3A_5, %dma_start3A_290] : memref<512x16xi32, #tpu.memory_space<hbm>> -> memref<1x16xi32, #tpu.memory_space<hbm>>
        %dma_start3A_292 = tpu.memref_squeeze %dma_start3A_291 : memref<1x16xi32, #tpu.memory_space<hbm>> -> memref<16xi32, #tpu.memory_space<hbm>>
        tpu.enqueue_dma source(%run_scoped3A_1 : memref<16xi32, #tpu.memory_space<vmem>>) target(%dma_start3A_292 : memref<16xi32, #tpu.memory_space<hbm>>) target_semaphore(%run_scoped3A_287 : memref<!tpu.dma_semaphore, #tpu.memory_space<semaphore_mem>>)
        %dma_wait3A = arith.constant 0 : i32
        %dma_wait3A_293 = tpu.memref_slice %arg3[%add3A_5, %dma_wait3A] : memref<512x16xi32, #tpu.memory_space<hbm>> -> memref<1x16xi32, #tpu.memory_space<hbm>>
        %dma_wait3A_294 = tpu.memref_squeeze %dma_wait3A_293 : memref<1x16xi32, #tpu.memory_space<hbm>> -> memref<16xi32, #tpu.memory_space<hbm>>
        %dma_wait3A_295 = arith.constant 0 : i32
        %dma_wait3A_296 = tpu.memref_slice %arg3[%add3A_5, %dma_wait3A_295] : memref<512x16xi32, #tpu.memory_space<hbm>> -> memref<1x16xi32, #tpu.memory_space<hbm>>
        %dma_wait3A_297 = tpu.memref_squeeze %dma_wait3A_296 : memref<1x16xi32, #tpu.memory_space<hbm>> -> memref<16xi32, #tpu.memory_space<hbm>>
        tpu.wait_dma2 semaphore(%run_scoped3A_287 : memref<!tpu.dma_semaphore, #tpu.memory_space<semaphore_mem>>) src(%run_scoped3A_1 : memref<16xi32, #tpu.memory_space<vmem>>) dst(%dma_wait3A_297 : memref<16xi32, #tpu.memory_space<hbm>>)
        tpu.yield
      }) : () -> ()
      %mul3A_17 = arith.constant 16 : i32
      %mul3A_18 = arith.muli %add3A, %mul3A_17 : i32
      %add3A_19 = arith.constant 1 : i32
      %add3A_20 = arith.addi %mul3A_18, %add3A_19 : i32
      "tpu.region"() ({
        %run_scoped3A_287 = tpu.sem_alloc : memref<!tpu.dma_semaphore, #tpu.memory_space<semaphore_mem>>
        %dma_start3A = arith.constant 0 : i32
        %dma_start3A_288 = tpu.memref_slice %arg2[%add3A_20, %dma_start3A] : memref<512x16384xf32, #tpu.memory_space<hbm>> -> memref<1x16384xf32, #tpu.memory_space<hbm>>
        %dma_start3A_289 = tpu.memref_squeeze %dma_start3A_288 : memref<1x16384xf32, #tpu.memory_space<hbm>> -> memref<16384xf32, #tpu.memory_space<hbm>>
        %dma_start3A_290 = arith.constant 0 : i32
        %dma_start3A_291 = tpu.memref_slice %arg2[%add3A_20, %dma_start3A_290] : memref<512x16384xf32, #tpu.memory_space<hbm>> -> memref<1x16384xf32, #tpu.memory_space<hbm>>
        %dma_start3A_292 = tpu.memref_squeeze %dma_start3A_291 : memref<1x16384xf32, #tpu.memory_space<hbm>> -> memref<16384xf32, #tpu.memory_space<hbm>>
        tpu.enqueue_dma source(%dma_start3A_292 : memref<16384xf32, #tpu.memory_space<hbm>>) target(%run_scoped3A : memref<16384xf32, #tpu.memory_space<vmem>>) target_semaphore(%run_scoped3A_287 : memref<!tpu.dma_semaphore, #tpu.memory_space<semaphore_mem>>)
        %dma_wait3A = arith.constant 0 : i32
        %dma_wait3A_293 = tpu.memref_slice %arg2[%add3A_20, %dma_wait3A] : memref<512x16384xf32, #tpu.memory_space<hbm>> -> memref<1x16384xf32, #tpu.memory_space<hbm>>
        %dma_wait3A_294 = tpu.memref_squeeze %dma_wait3A_293 : memref<1x16384xf32, #tpu.memory_space<hbm>> -> memref<16384xf32, #tpu.memory_space<hbm>>
        %dma_wait3A_295 = arith.constant 0 : i32
        %dma_wait3A_296 = tpu.memref_slice %arg2[%add3A_20, %dma_wait3A_295] : memref<512x16384xf32, #tpu.memory_space<hbm>> -> memref<1x16384xf32, #tpu.memory_space<hbm>>
        %dma_wait3A_297 = tpu.memref_squeeze %dma_wait3A_296 : memref<1x16384xf32, #tpu.memory_space<hbm>> -> memref<16384xf32, #tpu.memory_space<hbm>>
        tpu.wait_dma2 semaphore(%run_scoped3A_287 : memref<!tpu.dma_semaphore, #tpu.memory_space<semaphore_mem>>) src(%dma_wait3A_297 : memref<16384xf32, #tpu.memory_space<hbm>>) dst(%run_scoped3A : memref<16384xf32, #tpu.memory_space<vmem>>)
        tpu.yield
      }) : () -> ()
      %broadcast_in_dim3A_21 = arith.constant 0 : i32
      %broadcast_in_dim3A_22 = vector.broadcast %broadcast_in_dim3A_21 : i32 to vector<16xi32>
      %broadcast_in_dim3A_23 = arith.constant 2139095040 : i32
      %broadcast_in_dim3A_24 = vector.broadcast %broadcast_in_dim3A_23 : i32 to vector<16xi32>
      %scan3A_25 = arith.constant 0 : i32
      %scan3A_26 = arith.constant 31 : i32
      %scan3A_27 = arith.addi %scan3A_25, %scan3A_26 : i32
      %scan3A_28 = arith.constant 1 : i32
      %scan3A_29:2 = scf.for %scan3A_287 = %scan3A_25 to %scan3A_27 step %scan3A_28 iter_args(%scan3A_288 = %broadcast_in_dim3A_22, %scan3A_289 = %broadcast_in_dim3A_24) -> (vector<16xi32>, vector<16xi32>)  : i32 {
        %sub3A = arith.subi %scan3A_289, %scan3A_288 : vector<16xi32>
        %shift_right_arithmetic3A = arith.constant 1 : i32
        %shift_right_arithmetic3A_290 = vector.broadcast %shift_right_arithmetic3A : i32 to vector<16xi32>
        %shift_right_arithmetic3A_291 = arith.shrsi %sub3A, %shift_right_arithmetic3A_290 : vector<16xi32>
        %add3A_292 = arith.addi %scan3A_288, %shift_right_arithmetic3A_291 : vector<16xi32>
        %broadcast_in_dim3A_293 = arith.constant 0 : i32
        %broadcast_in_dim3A_294 = vector.broadcast %broadcast_in_dim3A_293 : i32 to vector<16xi32>
        %scan3A_295 = arith.constant 0 : i32
        %scan3A_296 = arith.constant 1024 : i32
        %scan3A_297 = arith.addi %scan3A_295, %scan3A_296 : i32
        %scan3A_298 = arith.constant 1 : i32
        %scan3A_299 = scf.for %scan3A_304 = %scan3A_295 to %scan3A_297 step %scan3A_298 iter_args(%scan3A_305 = %broadcast_in_dim3A_294) -> (vector<16xi32>)  : i32 {
          %mul3A_306 = arith.constant 16 : i32
          %mul3A_307 = arith.muli %scan3A_304, %mul3A_306 : i32
          %get3A = arith.index_cast %mul3A_307 : i32 to index
          %get3A_308 = tpu.vector_load %run_scoped3A[%get3A] {strides = array<i32>} : memref<16384xf32, #tpu.memory_space<vmem>>, vector<16xf32>,
          %get3A_309 = vector.shape_cast %get3A_308 : vector<16xf32> to vector<16xf32>
          %bitcast_convert_type3A = tpu.bitcast %get3A_309 : vector<16xf32> -> vector<16xi32>
          %ge3A_310 = arith.cmpi sge, %bitcast_convert_type3A, %add3A_292 : vector<16xi32>
          %jit3A = arith.constant 1 : i32
          %jit3A_311 = arith.constant 0 : i32
          %broadcast_in_dim3A_312 = vector.broadcast %jit3A : i32 to vector<16xi32>
          %broadcast_in_dim3A_313 = vector.broadcast %jit3A_311 : i32 to vector<16xi32>
          %select_n3A_314 = arith.select %ge3A_310, %broadcast_in_dim3A_312, %broadcast_in_dim3A_313 : vector<16xi1>, vector<16xi32>
          %add3A_315 = arith.addi %scan3A_305, %select_n3A_314 : vector<16xi32>
          scf.yield %add3A_315 : vector<16xi32>
        }
        %scan3A_300 = arith.constant 1024 : i32
        %ge3A = arith.constant 64 : i32
        %ge3A_301 = vector.broadcast %ge3A : i32 to vector<16xi32>
        %ge3A_302 = arith.cmpi sge, %scan3A_299, %ge3A_301 : vector<16xi32>
        %select_n3A = arith.select %ge3A_302, %add3A_292, %scan3A_288 : vector<16xi1>, vector<16xi32>
        %select_n3A_303 = arith.select %ge3A_302, %scan3A_289, %add3A_292 : vector<16xi1>, vector<16xi32>
        scf.yield %select_n3A, %select_n3A_303 : vector<16xi32>, vector<16xi32>
      }
      %scan3A_30 = arith.constant 31 : i32
      %swap3A_31 = arith.constant 0 : index
      %swap3A_32 = tpu.vector_load %run_scoped3A_1[%swap3A_31] {strides = array<i32>} : memref<16xi32, #tpu.memory_space<vmem>>, vector<16xi32>,
      %swap3A_33 = vector.shape_cast %swap3A_32 : vector<16xi32> to vector<16xi32>
      %swap3A_34 = vector.shape_cast %scan3A_29#0 : vector<16xi32> to vector<16xi32>
      tpu.vector_store %run_scoped3A_1[%swap3A_31], %swap3A_34 {strides = array<i32>} : memref<16xi32, #tpu.memory_space<vmem>>, vector<16xi32>,
      "tpu.region"() ({
        %run_scoped3A_287 = tpu.sem_alloc : memref<!tpu.dma_semaphore, #tpu.memory_space<semaphore_mem>>
        %dma_start3A = arith.constant 0 : i32
        %dma_start3A_288 = tpu.memref_slice %arg3[%add3A_20, %dma_start3A] : memref<512x16xi32, #tpu.memory_space<hbm>> -> memref<1x16xi32, #tpu.memory_space<hbm>>
        %dma_start3A_289 = tpu.memref_squeeze %dma_start3A_288 : memref<1x16xi32, #tpu.memory_space<hbm>> -> memref<16xi32, #tpu.memory_space<hbm>>
        %dma_start3A_290 = arith.constant 0 : i32
        %dma_start3A_291 = tpu.memref_slice %arg3[%add3A_20, %dma_start3A_290] : memref<512x16xi32, #tpu.memory_space<hbm>> -> memref<1x16xi32, #tpu.memory_space<hbm>>
        %dma_start3A_292 = tpu.memref_squeeze %dma_start3A_291 : memref<1x16xi32, #tpu.memory_space<hbm>> -> memref<16xi32, #tpu.memory_space<hbm>>
        tpu.enqueue_dma source(%run_scoped3A_1 : memref<16xi32, #tpu.memory_space<vmem>>) target(%dma_start3A_292 : memref<16xi32, #tpu.memory_space<hbm>>) target_semaphore(%run_scoped3A_287 : memref<!tpu.dma_semaphore, #tpu.memory_space<semaphore_mem>>)
        %dma_wait3A = arith.constant 0 : i32
        %dma_wait3A_293 = tpu.memref_slice %arg3[%add3A_20, %dma_wait3A] : memref<512x16xi32, #tpu.memory_space<hbm>> -> memref<1x16xi32, #tpu.memory_space<hbm>>
        %dma_wait3A_294 = tpu.memref_squeeze %dma_wait3A_293 : memref<1x16xi32, #tpu.memory_space<hbm>> -> memref<16xi32, #tpu.memory_space<hbm>>
        %dma_wait3A_295 = arith.constant 0 : i32
        %dma_wait3A_296 = tpu.memref_slice %arg3[%add3A_20, %dma_wait3A_295] : memref<512x16xi32, #tpu.memory_space<hbm>> -> memref<1x16xi32, #tpu.memory_space<hbm>>
        %dma_wait3A_297 = tpu.memref_squeeze %dma_wait3A_296 : memref<1x16xi32, #tpu.memory_space<hbm>> -> memref<16xi32, #tpu.memory_space<hbm>>
        tpu.wait_dma2 semaphore(%run_scoped3A_287 : memref<!tpu.dma_semaphore, #tpu.memory_space<semaphore_mem>>) src(%run_scoped3A_1 : memref<16xi32, #tpu.memory_space<vmem>>) dst(%dma_wait3A_297 : memref<16xi32, #tpu.memory_space<hbm>>)
        tpu.yield
      }) : () -> ()
      %mul3A_35 = arith.constant 16 : i32
      %mul3A_36 = arith.muli %add3A, %mul3A_35 : i32
      %add3A_37 = arith.constant 2 : i32
      %add3A_38 = arith.addi %mul3A_36, %add3A_37 : i32
      "tpu.region"() ({
        %run_scoped3A_287 = tpu.sem_alloc : memref<!tpu.dma_semaphore, #tpu.memory_space<semaphore_mem>>
        %dma_start3A = arith.constant 0 : i32
        %dma_start3A_288 = tpu.memref_slice %arg2[%add3A_38, %dma_start3A] : memref<512x16384xf32, #tpu.memory_space<hbm>> -> memref<1x16384xf32, #tpu.memory_space<hbm>>
        %dma_start3A_289 = tpu.memref_squeeze %dma_start3A_288 : memref<1x16384xf32, #tpu.memory_space<hbm>> -> memref<16384xf32, #tpu.memory_space<hbm>>
        %dma_start3A_290 = arith.constant 0 : i32
        %dma_start3A_291 = tpu.memref_slice %arg2[%add3A_38, %dma_start3A_290] : memref<512x16384xf32, #tpu.memory_space<hbm>> -> memref<1x16384xf32, #tpu.memory_space<hbm>>
        %dma_start3A_292 = tpu.memref_squeeze %dma_start3A_291 : memref<1x16384xf32, #tpu.memory_space<hbm>> -> memref<16384xf32, #tpu.memory_space<hbm>>
        tpu.enqueue_dma source(%dma_start3A_292 : memref<16384xf32, #tpu.memory_space<hbm>>) target(%run_scoped3A : memref<16384xf32, #tpu.memory_space<vmem>>) target_semaphore(%run_scoped3A_287 : memref<!tpu.dma_semaphore, #tpu.memory_space<semaphore_mem>>)
        %dma_wait3A = arith.constant 0 : i32
        %dma_wait3A_293 = tpu.memref_slice %arg2[%add3A_38, %dma_wait3A] : memref<512x16384xf32, #tpu.memory_space<hbm>> -> memref<1x16384xf32, #tpu.memory_space<hbm>>
        %dma_wait3A_294 = tpu.memref_squeeze %dma_wait3A_293 : memref<1x16384xf32, #tpu.memory_space<hbm>> -> memref<16384xf32, #tpu.memory_space<hbm>>
        %dma_wait3A_295 = arith.constant 0 : i32
        %dma_wait3A_296 = tpu.memref_slice %arg2[%add3A_38, %dma_wait3A_295] : memref<512x16384xf32, #tpu.memory_space<hbm>> -> memref<1x16384xf32, #tpu.memory_space<hbm>>
        %dma_wait3A_297 = tpu.memref_squeeze %dma_wait3A_296 : memref<1x16384xf32, #tpu.memory_space<hbm>> -> memref<16384xf32, #tpu.memory_space<hbm>>
        tpu.wait_dma2 semaphore(%run_scoped3A_287 : memref<!tpu.dma_semaphore, #tpu.memory_space<semaphore_mem>>) src(%dma_wait3A_297 : memref<16384xf32, #tpu.memory_space<hbm>>) dst(%run_scoped3A : memref<16384xf32, #tpu.memory_space<vmem>>)
        tpu.yield
      }) : () -> ()
      %broadcast_in_dim3A_39 = arith.constant 0 : i32
      %broadcast_in_dim3A_40 = vector.broadcast %broadcast_in_dim3A_39 : i32 to vector<16xi32>
      %broadcast_in_dim3A_41 = arith.constant 2139095040 : i32
      %broadcast_in_dim3A_42 = vector.broadcast %broadcast_in_dim3A_41 : i32 to vector<16xi32>
      %scan3A_43 = arith.constant 0 : i32
      %scan3A_44 = arith.constant 31 : i32
      %scan3A_45 = arith.addi %scan3A_43, %scan3A_44 : i32
      %scan3A_46 = arith.constant 1 : i32
      %scan3A_47:2 = scf.for %scan3A_287 = %scan3A_43 to %scan3A_45 step %scan3A_46 iter_args(%scan3A_288 = %broadcast_in_dim3A_40, %scan3A_289 = %broadcast_in_dim3A_42) -> (vector<16xi32>, vector<16xi32>)  : i32 {
        %sub3A = arith.subi %scan3A_289, %scan3A_288 : vector<16xi32>
        %shift_right_arithmetic3A = arith.constant 1 : i32
        %shift_right_arithmetic3A_290 = vector.broadcast %shift_right_arithmetic3A : i32 to vector<16xi32>
        %shift_right_arithmetic3A_291 = arith.shrsi %sub3A, %shift_right_arithmetic3A_290 : vector<16xi32>
        %add3A_292 = arith.addi %scan3A_288, %shift_right_arithmetic3A_291 : vector<16xi32>
        %broadcast_in_dim3A_293 = arith.constant 0 : i32
        %broadcast_in_dim3A_294 = vector.broadcast %broadcast_in_dim3A_293 : i32 to vector<16xi32>
        %scan3A_295 = arith.constant 0 : i32
        %scan3A_296 = arith.constant 1024 : i32
        %scan3A_297 = arith.addi %scan3A_295, %scan3A_296 : i32
        %scan3A_298 = arith.constant 1 : i32
        %scan3A_299 = scf.for %scan3A_304 = %scan3A_295 to %scan3A_297 step %scan3A_298 iter_args(%scan3A_305 = %broadcast_in_dim3A_294) -> (vector<16xi32>)  : i32 {
          %mul3A_306 = arith.constant 16 : i32
          %mul3A_307 = arith.muli %scan3A_304, %mul3A_306 : i32
          %get3A = arith.index_cast %mul3A_307 : i32 to index
          %get3A_308 = tpu.vector_load %run_scoped3A[%get3A] {strides = array<i32>} : memref<16384xf32, #tpu.memory_space<vmem>>, vector<16xf32>,
          %get3A_309 = vector.shape_cast %get3A_308 : vector<16xf32> to vector<16xf32>
          %bitcast_convert_type3A = tpu.bitcast %get3A_309 : vector<16xf32> -> vector<16xi32>
          %ge3A_310 = arith.cmpi sge, %bitcast_convert_type3A, %add3A_292 : vector<16xi32>
          %jit3A = arith.constant 1 : i32
          %jit3A_311 = arith.constant 0 : i32
          %broadcast_in_dim3A_312 = vector.broadcast %jit3A : i32 to vector<16xi32>
          %broadcast_in_dim3A_313 = vector.broadcast %jit3A_311 : i32 to vector<16xi32>
          %select_n3A_314 = arith.select %ge3A_310, %broadcast_in_dim3A_312, %broadcast_in_dim3A_313 : vector<16xi1>, vector<16xi32>
          %add3A_315 = arith.addi %scan3A_305, %select_n3A_314 : vector<16xi32>
          scf.yield %add3A_315 : vector<16xi32>
        }
        %scan3A_300 = arith.constant 1024 : i32
        %ge3A = arith.constant 64 : i32
        %ge3A_301 = vector.broadcast %ge3A : i32 to vector<16xi32>
        %ge3A_302 = arith.cmpi sge, %scan3A_299, %ge3A_301 : vector<16xi32>
        %select_n3A = arith.select %ge3A_302, %add3A_292, %scan3A_288 : vector<16xi1>, vector<16xi32>
        %select_n3A_303 = arith.select %ge3A_302, %scan3A_289, %add3A_292 : vector<16xi1>, vector<16xi32>
        scf.yield %select_n3A, %select_n3A_303 : vector<16xi32>, vector<16xi32>
      }
      %scan3A_48 = arith.constant 31 : i32
      %swap3A_49 = arith.constant 0 : index
      %swap3A_50 = tpu.vector_load %run_scoped3A_1[%swap3A_49] {strides = array<i32>} : memref<16xi32, #tpu.memory_space<vmem>>, vector<16xi32>,
      %swap3A_51 = vector.shape_cast %swap3A_50 : vector<16xi32> to vector<16xi32>
      %swap3A_52 = vector.shape_cast %scan3A_47#0 : vector<16xi32> to vector<16xi32>
      tpu.vector_store %run_scoped3A_1[%swap3A_49], %swap3A_52 {strides = array<i32>} : memref<16xi32, #tpu.memory_space<vmem>>, vector<16xi32>,
      "tpu.region"() ({
        %run_scoped3A_287 = tpu.sem_alloc : memref<!tpu.dma_semaphore, #tpu.memory_space<semaphore_mem>>
        %dma_start3A = arith.constant 0 : i32
        %dma_start3A_288 = tpu.memref_slice %arg3[%add3A_38, %dma_start3A] : memref<512x16xi32, #tpu.memory_space<hbm>> -> memref<1x16xi32, #tpu.memory_space<hbm>>
        %dma_start3A_289 = tpu.memref_squeeze %dma_start3A_288 : memref<1x16xi32, #tpu.memory_space<hbm>> -> memref<16xi32, #tpu.memory_space<hbm>>
        %dma_start3A_290 = arith.constant 0 : i32
        %dma_start3A_291 = tpu.memref_slice %arg3[%add3A_38, %dma_start3A_290] : memref<512x16xi32, #tpu.memory_space<hbm>> -> memref<1x16xi32, #tpu.memory_space<hbm>>
        %dma_start3A_292 = tpu.memref_squeeze %dma_start3A_291 : memref<1x16xi32, #tpu.memory_space<hbm>> -> memref<16xi32, #tpu.memory_space<hbm>>
        tpu.enqueue_dma source(%run_scoped3A_1 : memref<16xi32, #tpu.memory_space<vmem>>) target(%dma_start3A_292 : memref<16xi32, #tpu.memory_space<hbm>>) target_semaphore(%run_scoped3A_287 : memref<!tpu.dma_semaphore, #tpu.memory_space<semaphore_mem>>)
        %dma_wait3A = arith.constant 0 : i32
        %dma_wait3A_293 = tpu.memref_slice %arg3[%add3A_38, %dma_wait3A] : memref<512x16xi32, #tpu.memory_space<hbm>> -> memref<1x16xi32, #tpu.memory_space<hbm>>
        %dma_wait3A_294 = tpu.memref_squeeze %dma_wait3A_293 : memref<1x16xi32, #tpu.memory_space<hbm>> -> memref<16xi32, #tpu.memory_space<hbm>>
        %dma_wait3A_295 = arith.constant 0 : i32
        %dma_wait3A_296 = tpu.memref_slice %arg3[%add3A_38, %dma_wait3A_295] : memref<512x16xi32, #tpu.memory_space<hbm>> -> memref<1x16xi32, #tpu.memory_space<hbm>>
        %dma_wait3A_297 = tpu.memref_squeeze %dma_wait3A_296 : memref<1x16xi32, #tpu.memory_space<hbm>> -> memref<16xi32, #tpu.memory_space<hbm>>
        tpu.wait_dma2 semaphore(%run_scoped3A_287 : memref<!tpu.dma_semaphore, #tpu.memory_space<semaphore_mem>>) src(%run_scoped3A_1 : memref<16xi32, #tpu.memory_space<vmem>>) dst(%dma_wait3A_297 : memref<16xi32, #tpu.memory_space<hbm>>)
        tpu.yield
      }) : () -> ()
      %mul3A_53 = arith.constant 16 : i32
      %mul3A_54 = arith.muli %add3A, %mul3A_53 : i32
      %add3A_55 = arith.constant 3 : i32
      %add3A_56 = arith.addi %mul3A_54, %add3A_55 : i32
      "tpu.region"() ({
        %run_scoped3A_287 = tpu.sem_alloc : memref<!tpu.dma_semaphore, #tpu.memory_space<semaphore_mem>>
        %dma_start3A = arith.constant 0 : i32
        %dma_start3A_288 = tpu.memref_slice %arg2[%add3A_56, %dma_start3A] : memref<512x16384xf32, #tpu.memory_space<hbm>> -> memref<1x16384xf32, #tpu.memory_space<hbm>>
        %dma_start3A_289 = tpu.memref_squeeze %dma_start3A_288 : memref<1x16384xf32, #tpu.memory_space<hbm>> -> memref<16384xf32, #tpu.memory_space<hbm>>
        %dma_start3A_290 = arith.constant 0 : i32
        %dma_start3A_291 = tpu.memref_slice %arg2[%add3A_56, %dma_start3A_290] : memref<512x16384xf32, #tpu.memory_space<hbm>> -> memref<1x16384xf32, #tpu.memory_space<hbm>>
        %dma_start3A_292 = tpu.memref_squeeze %dma_start3A_291 : memref<1x16384xf32, #tpu.memory_space<hbm>> -> memref<16384xf32, #tpu.memory_space<hbm>>
        tpu.enqueue_dma source(%dma_start3A_292 : memref<16384xf32, #tpu.memory_space<hbm>>) target(%run_scoped3A : memref<16384xf32, #tpu.memory_space<vmem>>) target_semaphore(%run_scoped3A_287 : memref<!tpu.dma_semaphore, #tpu.memory_space<semaphore_mem>>)
        %dma_wait3A = arith.constant 0 : i32
        %dma_wait3A_293 = tpu.memref_slice %arg2[%add3A_56, %dma_wait3A] : memref<512x16384xf32, #tpu.memory_space<hbm>> -> memref<1x16384xf32, #tpu.memory_space<hbm>>
        %dma_wait3A_294 = tpu.memref_squeeze %dma_wait3A_293 : memref<1x16384xf32, #tpu.memory_space<hbm>> -> memref<16384xf32, #tpu.memory_space<hbm>>
        %dma_wait3A_295 = arith.constant 0 : i32
        %dma_wait3A_296 = tpu.memref_slice %arg2[%add3A_56, %dma_wait3A_295] : memref<512x16384xf32, #tpu.memory_space<hbm>> -> memref<1x16384xf32, #tpu.memory_space<hbm>>
        %dma_wait3A_297 = tpu.memref_squeeze %dma_wait3A_296 : memref<1x16384xf32, #tpu.memory_space<hbm>> -> memref<16384xf32, #tpu.memory_space<hbm>>
        tpu.wait_dma2 semaphore(%run_scoped3A_287 : memref<!tpu.dma_semaphore, #tpu.memory_space<semaphore_mem>>) src(%dma_wait3A_297 : memref<16384xf32, #tpu.memory_space<hbm>>) dst(%run_scoped3A : memref<16384xf32, #tpu.memory_space<vmem>>)
        tpu.yield
      }) : () -> ()
      %broadcast_in_dim3A_57 = arith.constant 0 : i32
      %broadcast_in_dim3A_58 = vector.broadcast %broadcast_in_dim3A_57 : i32 to vector<16xi32>
      %broadcast_in_dim3A_59 = arith.constant 2139095040 : i32
      %broadcast_in_dim3A_60 = vector.broadcast %broadcast_in_dim3A_59 : i32 to vector<16xi32>
      %scan3A_61 = arith.constant 0 : i32
      %scan3A_62 = arith.constant 31 : i32
      %scan3A_63 = arith.addi %scan3A_61, %scan3A_62 : i32
      %scan3A_64 = arith.constant 1 : i32
      %scan3A_65:2 = scf.for %scan3A_287 = %scan3A_61 to %scan3A_63 step %scan3A_64 iter_args(%scan3A_288 = %broadcast_in_dim3A_58, %scan3A_289 = %broadcast_in_dim3A_60) -> (vector<16xi32>, vector<16xi32>)  : i32 {
        %sub3A = arith.subi %scan3A_289, %scan3A_288 : vector<16xi32>
        %shift_right_arithmetic3A = arith.constant 1 : i32
        %shift_right_arithmetic3A_290 = vector.broadcast %shift_right_arithmetic3A : i32 to vector<16xi32>
        %shift_right_arithmetic3A_291 = arith.shrsi %sub3A, %shift_right_arithmetic3A_290 : vector<16xi32>
        %add3A_292 = arith.addi %scan3A_288, %shift_right_arithmetic3A_291 : vector<16xi32>
        %broadcast_in_dim3A_293 = arith.constant 0 : i32
        %broadcast_in_dim3A_294 = vector.broadcast %broadcast_in_dim3A_293 : i32 to vector<16xi32>
        %scan3A_295 = arith.constant 0 : i32
        %scan3A_296 = arith.constant 1024 : i32
        %scan3A_297 = arith.addi %scan3A_295, %scan3A_296 : i32
        %scan3A_298 = arith.constant 1 : i32
        %scan3A_299 = scf.for %scan3A_304 = %scan3A_295 to %scan3A_297 step %scan3A_298 iter_args(%scan3A_305 = %broadcast_in_dim3A_294) -> (vector<16xi32>)  : i32 {
          %mul3A_306 = arith.constant 16 : i32
          %mul3A_307 = arith.muli %scan3A_304, %mul3A_306 : i32
          %get3A = arith.index_cast %mul3A_307 : i32 to index
          %get3A_308 = tpu.vector_load %run_scoped3A[%get3A] {strides = array<i32>} : memref<16384xf32, #tpu.memory_space<vmem>>, vector<16xf32>,
          %get3A_309 = vector.shape_cast %get3A_308 : vector<16xf32> to vector<16xf32>
          %bitcast_convert_type3A = tpu.bitcast %get3A_309 : vector<16xf32> -> vector<16xi32>
          %ge3A_310 = arith.cmpi sge, %bitcast_convert_type3A, %add3A_292 : vector<16xi32>
          %jit3A = arith.constant 1 : i32
          %jit3A_311 = arith.constant 0 : i32
          %broadcast_in_dim3A_312 = vector.broadcast %jit3A : i32 to vector<16xi32>
          %broadcast_in_dim3A_313 = vector.broadcast %jit3A_311 : i32 to vector<16xi32>
          %select_n3A_314 = arith.select %ge3A_310, %broadcast_in_dim3A_312, %broadcast_in_dim3A_313 : vector<16xi1>, vector<16xi32>
          %add3A_315 = arith.addi %scan3A_305, %select_n3A_314 : vector<16xi32>
          scf.yield %add3A_315 : vector<16xi32>
        }
        %scan3A_300 = arith.constant 1024 : i32
        %ge3A = arith.constant 64 : i32
        %ge3A_301 = vector.broadcast %ge3A : i32 to vector<16xi32>
        %ge3A_302 = arith.cmpi sge, %scan3A_299, %ge3A_301 : vector<16xi32>
        %select_n3A = arith.select %ge3A_302, %add3A_292, %scan3A_288 : vector<16xi1>, vector<16xi32>
        %select_n3A_303 = arith.select %ge3A_302, %scan3A_289, %add3A_292 : vector<16xi1>, vector<16xi32>
        scf.yield %select_n3A, %select_n3A_303 : vector<16xi32>, vector<16xi32>
      }
      %scan3A_66 = arith.constant 31 : i32
      %swap3A_67 = arith.constant 0 : index
      %swap3A_68 = tpu.vector_load %run_scoped3A_1[%swap3A_67] {strides = array<i32>} : memref<16xi32, #tpu.memory_space<vmem>>, vector<16xi32>,
      %swap3A_69 = vector.shape_cast %swap3A_68 : vector<16xi32> to vector<16xi32>
      %swap3A_70 = vector.shape_cast %scan3A_65#0 : vector<16xi32> to vector<16xi32>
      tpu.vector_store %run_scoped3A_1[%swap3A_67], %swap3A_70 {strides = array<i32>} : memref<16xi32, #tpu.memory_space<vmem>>, vector<16xi32>,
      "tpu.region"() ({
        %run_scoped3A_287 = tpu.sem_alloc : memref<!tpu.dma_semaphore, #tpu.memory_space<semaphore_mem>>
        %dma_start3A = arith.constant 0 : i32
        %dma_start3A_288 = tpu.memref_slice %arg3[%add3A_56, %dma_start3A] : memref<512x16xi32, #tpu.memory_space<hbm>> -> memref<1x16xi32, #tpu.memory_space<hbm>>
        %dma_start3A_289 = tpu.memref_squeeze %dma_start3A_288 : memref<1x16xi32, #tpu.memory_space<hbm>> -> memref<16xi32, #tpu.memory_space<hbm>>
        %dma_start3A_290 = arith.constant 0 : i32
        %dma_start3A_291 = tpu.memref_slice %arg3[%add3A_56, %dma_start3A_290] : memref<512x16xi32, #tpu.memory_space<hbm>> -> memref<1x16xi32, #tpu.memory_space<hbm>>
        %dma_start3A_292 = tpu.memref_squeeze %dma_start3A_291 : memref<1x16xi32, #tpu.memory_space<hbm>> -> memref<16xi32, #tpu.memory_space<hbm>>
        tpu.enqueue_dma source(%run_scoped3A_1 : memref<16xi32, #tpu.memory_space<vmem>>) target(%dma_start3A_292 : memref<16xi32, #tpu.memory_space<hbm>>) target_semaphore(%run_scoped3A_287 : memref<!tpu.dma_semaphore, #tpu.memory_space<semaphore_mem>>)
        %dma_wait3A = arith.constant 0 : i32
        %dma_wait3A_293 = tpu.memref_slice %arg3[%add3A_56, %dma_wait3A] : memref<512x16xi32, #tpu.memory_space<hbm>> -> memref<1x16xi32, #tpu.memory_space<hbm>>
        %dma_wait3A_294 = tpu.memref_squeeze %dma_wait3A_293 : memref<1x16xi32, #tpu.memory_space<hbm>> -> memref<16xi32, #tpu.memory_space<hbm>>
        %dma_wait3A_295 = arith.constant 0 : i32
        %dma_wait3A_296 = tpu.memref_slice %arg3[%add3A_56, %dma_wait3A_295] : memref<512x16xi32, #tpu.memory_space<hbm>> -> memref<1x16xi32, #tpu.memory_space<hbm>>
        %dma_wait3A_297 = tpu.memref_squeeze %dma_wait3A_296 : memref<1x16xi32, #tpu.memory_space<hbm>> -> memref<16xi32, #tpu.memory_space<hbm>>
        tpu.wait_dma2 semaphore(%run_scoped3A_287 : memref<!tpu.dma_semaphore, #tpu.memory_space<semaphore_mem>>) src(%run_scoped3A_1 : memref<16xi32, #tpu.memory_space<vmem>>) dst(%dma_wait3A_297 : memref<16xi32, #tpu.memory_space<hbm>>)
        tpu.yield
      }) : () -> ()
      %mul3A_71 = arith.constant 16 : i32
      %mul3A_72 = arith.muli %add3A, %mul3A_71 : i32
      %add3A_73 = arith.constant 4 : i32
      %add3A_74 = arith.addi %mul3A_72, %add3A_73 : i32
      "tpu.region"() ({
        %run_scoped3A_287 = tpu.sem_alloc : memref<!tpu.dma_semaphore, #tpu.memory_space<semaphore_mem>>
        %dma_start3A = arith.constant 0 : i32
        %dma_start3A_288 = tpu.memref_slice %arg2[%add3A_74, %dma_start3A] : memref<512x16384xf32, #tpu.memory_space<hbm>> -> memref<1x16384xf32, #tpu.memory_space<hbm>>
        %dma_start3A_289 = tpu.memref_squeeze %dma_start3A_288 : memref<1x16384xf32, #tpu.memory_space<hbm>> -> memref<16384xf32, #tpu.memory_space<hbm>>
        %dma_start3A_290 = arith.constant 0 : i32
        %dma_start3A_291 = tpu.memref_slice %arg2[%add3A_74, %dma_start3A_290] : memref<512x16384xf32, #tpu.memory_space<hbm>> -> memref<1x16384xf32, #tpu.memory_space<hbm>>
        %dma_start3A_292 = tpu.memref_squeeze %dma_start3A_291 : memref<1x16384xf32, #tpu.memory_space<hbm>> -> memref<16384xf32, #tpu.memory_space<hbm>>
        tpu.enqueue_dma source(%dma_start3A_292 : memref<16384xf32, #tpu.memory_space<hbm>>) target(%run_scoped3A : memref<16384xf32, #tpu.memory_space<vmem>>) target_semaphore(%run_scoped3A_287 : memref<!tpu.dma_semaphore, #tpu.memory_space<semaphore_mem>>)
        %dma_wait3A = arith.constant 0 : i32
        %dma_wait3A_293 = tpu.memref_slice %arg2[%add3A_74, %dma_wait3A] : memref<512x16384xf32, #tpu.memory_space<hbm>> -> memref<1x16384xf32, #tpu.memory_space<hbm>>
        %dma_wait3A_294 = tpu.memref_squeeze %dma_wait3A_293 : memref<1x16384xf32, #tpu.memory_space<hbm>> -> memref<16384xf32, #tpu.memory_space<hbm>>
        %dma_wait3A_295 = arith.constant 0 : i32
        %dma_wait3A_296 = tpu.memref_slice %arg2[%add3A_74, %dma_wait3A_295] : memref<512x16384xf32, #tpu.memory_space<hbm>> -> memref<1x16384xf32, #tpu.memory_space<hbm>>
        %dma_wait3A_297 = tpu.memref_squeeze %dma_wait3A_296 : memref<1x16384xf32, #tpu.memory_space<hbm>> -> memref<16384xf32, #tpu.memory_space<hbm>>
        tpu.wait_dma2 semaphore(%run_scoped3A_287 : memref<!tpu.dma_semaphore, #tpu.memory_space<semaphore_mem>>) src(%dma_wait3A_297 : memref<16384xf32, #tpu.memory_space<hbm>>) dst(%run_scoped3A : memref<16384xf32, #tpu.memory_space<vmem>>)
        tpu.yield
      }) : () -> ()
      %broadcast_in_dim3A_75 = arith.constant 0 : i32
      %broadcast_in_dim3A_76 = vector.broadcast %broadcast_in_dim3A_75 : i32 to vector<16xi32>
      %broadcast_in_dim3A_77 = arith.constant 2139095040 : i32
      %broadcast_in_dim3A_78 = vector.broadcast %broadcast_in_dim3A_77 : i32 to vector<16xi32>
      %scan3A_79 = arith.constant 0 : i32
      %scan3A_80 = arith.constant 31 : i32
      %scan3A_81 = arith.addi %scan3A_79, %scan3A_80 : i32
      %scan3A_82 = arith.constant 1 : i32
      %scan3A_83:2 = scf.for %scan3A_287 = %scan3A_79 to %scan3A_81 step %scan3A_82 iter_args(%scan3A_288 = %broadcast_in_dim3A_76, %scan3A_289 = %broadcast_in_dim3A_78) -> (vector<16xi32>, vector<16xi32>)  : i32 {
        %sub3A = arith.subi %scan3A_289, %scan3A_288 : vector<16xi32>
        %shift_right_arithmetic3A = arith.constant 1 : i32
        %shift_right_arithmetic3A_290 = vector.broadcast %shift_right_arithmetic3A : i32 to vector<16xi32>
        %shift_right_arithmetic3A_291 = arith.shrsi %sub3A, %shift_right_arithmetic3A_290 : vector<16xi32>
        %add3A_292 = arith.addi %scan3A_288, %shift_right_arithmetic3A_291 : vector<16xi32>
        %broadcast_in_dim3A_293 = arith.constant 0 : i32
        %broadcast_in_dim3A_294 = vector.broadcast %broadcast_in_dim3A_293 : i32 to vector<16xi32>
        %scan3A_295 = arith.constant 0 : i32
        %scan3A_296 = arith.constant 1024 : i32
        %scan3A_297 = arith.addi %scan3A_295, %scan3A_296 : i32
        %scan3A_298 = arith.constant 1 : i32
        %scan3A_299 = scf.for %scan3A_304 = %scan3A_295 to %scan3A_297 step %scan3A_298 iter_args(%scan3A_305 = %broadcast_in_dim3A_294) -> (vector<16xi32>)  : i32 {
          %mul3A_306 = arith.constant 16 : i32
          %mul3A_307 = arith.muli %scan3A_304, %mul3A_306 : i32
          %get3A = arith.index_cast %mul3A_307 : i32 to index
          %get3A_308 = tpu.vector_load %run_scoped3A[%get3A] {strides = array<i32>} : memref<16384xf32, #tpu.memory_space<vmem>>, vector<16xf32>,
          %get3A_309 = vector.shape_cast %get3A_308 : vector<16xf32> to vector<16xf32>
          %bitcast_convert_type3A = tpu.bitcast %get3A_309 : vector<16xf32> -> vector<16xi32>
          %ge3A_310 = arith.cmpi sge, %bitcast_convert_type3A, %add3A_292 : vector<16xi32>
          %jit3A = arith.constant 1 : i32
          %jit3A_311 = arith.constant 0 : i32
          %broadcast_in_dim3A_312 = vector.broadcast %jit3A : i32 to vector<16xi32>
          %broadcast_in_dim3A_313 = vector.broadcast %jit3A_311 : i32 to vector<16xi32>
          %select_n3A_314 = arith.select %ge3A_310, %broadcast_in_dim3A_312, %broadcast_in_dim3A_313 : vector<16xi1>, vector<16xi32>
          %add3A_315 = arith.addi %scan3A_305, %select_n3A_314 : vector<16xi32>
          scf.yield %add3A_315 : vector<16xi32>
        }
        %scan3A_300 = arith.constant 1024 : i32
        %ge3A = arith.constant 64 : i32
        %ge3A_301 = vector.broadcast %ge3A : i32 to vector<16xi32>
        %ge3A_302 = arith.cmpi sge, %scan3A_299, %ge3A_301 : vector<16xi32>
        %select_n3A = arith.select %ge3A_302, %add3A_292, %scan3A_288 : vector<16xi1>, vector<16xi32>
        %select_n3A_303 = arith.select %ge3A_302, %scan3A_289, %add3A_292 : vector<16xi1>, vector<16xi32>
        scf.yield %select_n3A, %select_n3A_303 : vector<16xi32>, vector<16xi32>
      }
      %scan3A_84 = arith.constant 31 : i32
      %swap3A_85 = arith.constant 0 : index
      %swap3A_86 = tpu.vector_load %run_scoped3A_1[%swap3A_85] {strides = array<i32>} : memref<16xi32, #tpu.memory_space<vmem>>, vector<16xi32>,
      %swap3A_87 = vector.shape_cast %swap3A_86 : vector<16xi32> to vector<16xi32>
      %swap3A_88 = vector.shape_cast %scan3A_83#0 : vector<16xi32> to vector<16xi32>
      tpu.vector_store %run_scoped3A_1[%swap3A_85], %swap3A_88 {strides = array<i32>} : memref<16xi32, #tpu.memory_space<vmem>>, vector<16xi32>,
      "tpu.region"() ({
        %run_scoped3A_287 = tpu.sem_alloc : memref<!tpu.dma_semaphore, #tpu.memory_space<semaphore_mem>>
        %dma_start3A = arith.constant 0 : i32
        %dma_start3A_288 = tpu.memref_slice %arg3[%add3A_74, %dma_start3A] : memref<512x16xi32, #tpu.memory_space<hbm>> -> memref<1x16xi32, #tpu.memory_space<hbm>>
        %dma_start3A_289 = tpu.memref_squeeze %dma_start3A_288 : memref<1x16xi32, #tpu.memory_space<hbm>> -> memref<16xi32, #tpu.memory_space<hbm>>
        %dma_start3A_290 = arith.constant 0 : i32
        %dma_start3A_291 = tpu.memref_slice %arg3[%add3A_74, %dma_start3A_290] : memref<512x16xi32, #tpu.memory_space<hbm>> -> memref<1x16xi32, #tpu.memory_space<hbm>>
        %dma_start3A_292 = tpu.memref_squeeze %dma_start3A_291 : memref<1x16xi32, #tpu.memory_space<hbm>> -> memref<16xi32, #tpu.memory_space<hbm>>
        tpu.enqueue_dma source(%run_scoped3A_1 : memref<16xi32, #tpu.memory_space<vmem>>) target(%dma_start3A_292 : memref<16xi32, #tpu.memory_space<hbm>>) target_semaphore(%run_scoped3A_287 : memref<!tpu.dma_semaphore, #tpu.memory_space<semaphore_mem>>)
        %dma_wait3A = arith.constant 0 : i32
        %dma_wait3A_293 = tpu.memref_slice %arg3[%add3A_74, %dma_wait3A] : memref<512x16xi32, #tpu.memory_space<hbm>> -> memref<1x16xi32, #tpu.memory_space<hbm>>
        %dma_wait3A_294 = tpu.memref_squeeze %dma_wait3A_293 : memref<1x16xi32, #tpu.memory_space<hbm>> -> memref<16xi32, #tpu.memory_space<hbm>>
        %dma_wait3A_295 = arith.constant 0 : i32
        %dma_wait3A_296 = tpu.memref_slice %arg3[%add3A_74, %dma_wait3A_295] : memref<512x16xi32, #tpu.memory_space<hbm>> -> memref<1x16xi32, #tpu.memory_space<hbm>>
        %dma_wait3A_297 = tpu.memref_squeeze %dma_wait3A_296 : memref<1x16xi32, #tpu.memory_space<hbm>> -> memref<16xi32, #tpu.memory_space<hbm>>
        tpu.wait_dma2 semaphore(%run_scoped3A_287 : memref<!tpu.dma_semaphore, #tpu.memory_space<semaphore_mem>>) src(%run_scoped3A_1 : memref<16xi32, #tpu.memory_space<vmem>>) dst(%dma_wait3A_297 : memref<16xi32, #tpu.memory_space<hbm>>)
        tpu.yield
      }) : () -> ()
      %mul3A_89 = arith.constant 16 : i32
      %mul3A_90 = arith.muli %add3A, %mul3A_89 : i32
      %add3A_91 = arith.constant 5 : i32
      %add3A_92 = arith.addi %mul3A_90, %add3A_91 : i32
      "tpu.region"() ({
        %run_scoped3A_287 = tpu.sem_alloc : memref<!tpu.dma_semaphore, #tpu.memory_space<semaphore_mem>>
        %dma_start3A = arith.constant 0 : i32
        %dma_start3A_288 = tpu.memref_slice %arg2[%add3A_92, %dma_start3A] : memref<512x16384xf32, #tpu.memory_space<hbm>> -> memref<1x16384xf32, #tpu.memory_space<hbm>>
        %dma_start3A_289 = tpu.memref_squeeze %dma_start3A_288 : memref<1x16384xf32, #tpu.memory_space<hbm>> -> memref<16384xf32, #tpu.memory_space<hbm>>
        %dma_start3A_290 = arith.constant 0 : i32
        %dma_start3A_291 = tpu.memref_slice %arg2[%add3A_92, %dma_start3A_290] : memref<512x16384xf32, #tpu.memory_space<hbm>> -> memref<1x16384xf32, #tpu.memory_space<hbm>>
        %dma_start3A_292 = tpu.memref_squeeze %dma_start3A_291 : memref<1x16384xf32, #tpu.memory_space<hbm>> -> memref<16384xf32, #tpu.memory_space<hbm>>
        tpu.enqueue_dma source(%dma_start3A_292 : memref<16384xf32, #tpu.memory_space<hbm>>) target(%run_scoped3A : memref<16384xf32, #tpu.memory_space<vmem>>) target_semaphore(%run_scoped3A_287 : memref<!tpu.dma_semaphore, #tpu.memory_space<semaphore_mem>>)
        %dma_wait3A = arith.constant 0 : i32
        %dma_wait3A_293 = tpu.memref_slice %arg2[%add3A_92, %dma_wait3A] : memref<512x16384xf32, #tpu.memory_space<hbm>> -> memref<1x16384xf32, #tpu.memory_space<hbm>>
        %dma_wait3A_294 = tpu.memref_squeeze %dma_wait3A_293 : memref<1x16384xf32, #tpu.memory_space<hbm>> -> memref<16384xf32, #tpu.memory_space<hbm>>
        %dma_wait3A_295 = arith.constant 0 : i32
        %dma_wait3A_296 = tpu.memref_slice %arg2[%add3A_92, %dma_wait3A_295] : memref<512x16384xf32, #tpu.memory_space<hbm>> -> memref<1x16384xf32, #tpu.memory_space<hbm>>
        %dma_wait3A_297 = tpu.memref_squeeze %dma_wait3A_296 : memref<1x16384xf32, #tpu.memory_space<hbm>> -> memref<16384xf32, #tpu.memory_space<hbm>>
        tpu.wait_dma2 semaphore(%run_scoped3A_287 : memref<!tpu.dma_semaphore, #tpu.memory_space<semaphore_mem>>) src(%dma_wait3A_297 : memref<16384xf32, #tpu.memory_space<hbm>>) dst(%run_scoped3A : memref<16384xf32, #tpu.memory_space<vmem>>)
        tpu.yield
      }) : () -> ()
      %broadcast_in_dim3A_93 = arith.constant 0 : i32
      %broadcast_in_dim3A_94 = vector.broadcast %broadcast_in_dim3A_93 : i32 to vector<16xi32>
      %broadcast_in_dim3A_95 = arith.constant 2139095040 : i32
      %broadcast_in_dim3A_96 = vector.broadcast %broadcast_in_dim3A_95 : i32 to vector<16xi32>
      %scan3A_97 = arith.constant 0 : i32
      %scan3A_98 = arith.constant 31 : i32
      %scan3A_99 = arith.addi %scan3A_97, %scan3A_98 : i32
      %scan3A_100 = arith.constant 1 : i32
      %scan3A_101:2 = scf.for %scan3A_287 = %scan3A_97 to %scan3A_99 step %scan3A_100 iter_args(%scan3A_288 = %broadcast_in_dim3A_94, %scan3A_289 = %broadcast_in_dim3A_96) -> (vector<16xi32>, vector<16xi32>)  : i32 {
        %sub3A = arith.subi %scan3A_289, %scan3A_288 : vector<16xi32>
        %shift_right_arithmetic3A = arith.constant 1 : i32
        %shift_right_arithmetic3A_290 = vector.broadcast %shift_right_arithmetic3A : i32 to vector<16xi32>
        %shift_right_arithmetic3A_291 = arith.shrsi %sub3A, %shift_right_arithmetic3A_290 : vector<16xi32>
        %add3A_292 = arith.addi %scan3A_288, %shift_right_arithmetic3A_291 : vector<16xi32>
        %broadcast_in_dim3A_293 = arith.constant 0 : i32
        %broadcast_in_dim3A_294 = vector.broadcast %broadcast_in_dim3A_293 : i32 to vector<16xi32>
        %scan3A_295 = arith.constant 0 : i32
        %scan3A_296 = arith.constant 1024 : i32
        %scan3A_297 = arith.addi %scan3A_295, %scan3A_296 : i32
        %scan3A_298 = arith.constant 1 : i32
        %scan3A_299 = scf.for %scan3A_304 = %scan3A_295 to %scan3A_297 step %scan3A_298 iter_args(%scan3A_305 = %broadcast_in_dim3A_294) -> (vector<16xi32>)  : i32 {
          %mul3A_306 = arith.constant 16 : i32
          %mul3A_307 = arith.muli %scan3A_304, %mul3A_306 : i32
          %get3A = arith.index_cast %mul3A_307 : i32 to index
          %get3A_308 = tpu.vector_load %run_scoped3A[%get3A] {strides = array<i32>} : memref<16384xf32, #tpu.memory_space<vmem>>, vector<16xf32>,
          %get3A_309 = vector.shape_cast %get3A_308 : vector<16xf32> to vector<16xf32>
          %bitcast_convert_type3A = tpu.bitcast %get3A_309 : vector<16xf32> -> vector<16xi32>
          %ge3A_310 = arith.cmpi sge, %bitcast_convert_type3A, %add3A_292 : vector<16xi32>
          %jit3A = arith.constant 1 : i32
          %jit3A_311 = arith.constant 0 : i32
          %broadcast_in_dim3A_312 = vector.broadcast %jit3A : i32 to vector<16xi32>
          %broadcast_in_dim3A_313 = vector.broadcast %jit3A_311 : i32 to vector<16xi32>
          %select_n3A_314 = arith.select %ge3A_310, %broadcast_in_dim3A_312, %broadcast_in_dim3A_313 : vector<16xi1>, vector<16xi32>
          %add3A_315 = arith.addi %scan3A_305, %select_n3A_314 : vector<16xi32>
          scf.yield %add3A_315 : vector<16xi32>
        }
        %scan3A_300 = arith.constant 1024 : i32
        %ge3A = arith.constant 64 : i32
        %ge3A_301 = vector.broadcast %ge3A : i32 to vector<16xi32>
        %ge3A_302 = arith.cmpi sge, %scan3A_299, %ge3A_301 : vector<16xi32>
        %select_n3A = arith.select %ge3A_302, %add3A_292, %scan3A_288 : vector<16xi1>, vector<16xi32>
        %select_n3A_303 = arith.select %ge3A_302, %scan3A_289, %add3A_292 : vector<16xi1>, vector<16xi32>
        scf.yield %select_n3A, %select_n3A_303 : vector<16xi32>, vector<16xi32>
      }
      %scan3A_102 = arith.constant 31 : i32
      %swap3A_103 = arith.constant 0 : index
      %swap3A_104 = tpu.vector_load %run_scoped3A_1[%swap3A_103] {strides = array<i32>} : memref<16xi32, #tpu.memory_space<vmem>>, vector<16xi32>,
      %swap3A_105 = vector.shape_cast %swap3A_104 : vector<16xi32> to vector<16xi32>
      %swap3A_106 = vector.shape_cast %scan3A_101#0 : vector<16xi32> to vector<16xi32>
      tpu.vector_store %run_scoped3A_1[%swap3A_103], %swap3A_106 {strides = array<i32>} : memref<16xi32, #tpu.memory_space<vmem>>, vector<16xi32>,
      "tpu.region"() ({
        %run_scoped3A_287 = tpu.sem_alloc : memref<!tpu.dma_semaphore, #tpu.memory_space<semaphore_mem>>
        %dma_start3A = arith.constant 0 : i32
        %dma_start3A_288 = tpu.memref_slice %arg3[%add3A_92, %dma_start3A] : memref<512x16xi32, #tpu.memory_space<hbm>> -> memref<1x16xi32, #tpu.memory_space<hbm>>
        %dma_start3A_289 = tpu.memref_squeeze %dma_start3A_288 : memref<1x16xi32, #tpu.memory_space<hbm>> -> memref<16xi32, #tpu.memory_space<hbm>>
        %dma_start3A_290 = arith.constant 0 : i32
        %dma_start3A_291 = tpu.memref_slice %arg3[%add3A_92, %dma_start3A_290] : memref<512x16xi32, #tpu.memory_space<hbm>> -> memref<1x16xi32, #tpu.memory_space<hbm>>
        %dma_start3A_292 = tpu.memref_squeeze %dma_start3A_291 : memref<1x16xi32, #tpu.memory_space<hbm>> -> memref<16xi32, #tpu.memory_space<hbm>>
        tpu.enqueue_dma source(%run_scoped3A_1 : memref<16xi32, #tpu.memory_space<vmem>>) target(%dma_start3A_292 : memref<16xi32, #tpu.memory_space<hbm>>) target_semaphore(%run_scoped3A_287 : memref<!tpu.dma_semaphore, #tpu.memory_space<semaphore_mem>>)
        %dma_wait3A = arith.constant 0 : i32
        %dma_wait3A_293 = tpu.memref_slice %arg3[%add3A_92, %dma_wait3A] : memref<512x16xi32, #tpu.memory_space<hbm>> -> memref<1x16xi32, #tpu.memory_space<hbm>>
        %dma_wait3A_294 = tpu.memref_squeeze %dma_wait3A_293 : memref<1x16xi32, #tpu.memory_space<hbm>> -> memref<16xi32, #tpu.memory_space<hbm>>
        %dma_wait3A_295 = arith.constant 0 : i32
        %dma_wait3A_296 = tpu.memref_slice %arg3[%add3A_92, %dma_wait3A_295] : memref<512x16xi32, #tpu.memory_space<hbm>> -> memref<1x16xi32, #tpu.memory_space<hbm>>
        %dma_wait3A_297 = tpu.memref_squeeze %dma_wait3A_296 : memref<1x16xi32, #tpu.memory_space<hbm>> -> memref<16xi32, #tpu.memory_space<hbm>>
        tpu.wait_dma2 semaphore(%run_scoped3A_287 : memref<!tpu.dma_semaphore, #tpu.memory_space<semaphore_mem>>) src(%run_scoped3A_1 : memref<16xi32, #tpu.memory_space<vmem>>) dst(%dma_wait3A_297 : memref<16xi32, #tpu.memory_space<hbm>>)
        tpu.yield
      }) : () -> ()
      %mul3A_107 = arith.constant 16 : i32
      %mul3A_108 = arith.muli %add3A, %mul3A_107 : i32
      %add3A_109 = arith.constant 6 : i32
      %add3A_110 = arith.addi %mul3A_108, %add3A_109 : i32
      "tpu.region"() ({
        %run_scoped3A_287 = tpu.sem_alloc : memref<!tpu.dma_semaphore, #tpu.memory_space<semaphore_mem>>
        %dma_start3A = arith.constant 0 : i32
        %dma_start3A_288 = tpu.memref_slice %arg2[%add3A_110, %dma_start3A] : memref<512x16384xf32, #tpu.memory_space<hbm>> -> memref<1x16384xf32, #tpu.memory_space<hbm>>
        %dma_start3A_289 = tpu.memref_squeeze %dma_start3A_288 : memref<1x16384xf32, #tpu.memory_space<hbm>> -> memref<16384xf32, #tpu.memory_space<hbm>>
        %dma_start3A_290 = arith.constant 0 : i32
        %dma_start3A_291 = tpu.memref_slice %arg2[%add3A_110, %dma_start3A_290] : memref<512x16384xf32, #tpu.memory_space<hbm>> -> memref<1x16384xf32, #tpu.memory_space<hbm>>
        %dma_start3A_292 = tpu.memref_squeeze %dma_start3A_291 : memref<1x16384xf32, #tpu.memory_space<hbm>> -> memref<16384xf32, #tpu.memory_space<hbm>>
        tpu.enqueue_dma source(%dma_start3A_292 : memref<16384xf32, #tpu.memory_space<hbm>>) target(%run_scoped3A : memref<16384xf32, #tpu.memory_space<vmem>>) target_semaphore(%run_scoped3A_287 : memref<!tpu.dma_semaphore, #tpu.memory_space<semaphore_mem>>)
        %dma_wait3A = arith.constant 0 : i32
        %dma_wait3A_293 = tpu.memref_slice %arg2[%add3A_110, %dma_wait3A] : memref<512x16384xf32, #tpu.memory_space<hbm>> -> memref<1x16384xf32, #tpu.memory_space<hbm>>
        %dma_wait3A_294 = tpu.memref_squeeze %dma_wait3A_293 : memref<1x16384xf32, #tpu.memory_space<hbm>> -> memref<16384xf32, #tpu.memory_space<hbm>>
        %dma_wait3A_295 = arith.constant 0 : i32
        %dma_wait3A_296 = tpu.memref_slice %arg2[%add3A_110, %dma_wait3A_295] : memref<512x16384xf32, #tpu.memory_space<hbm>> -> memref<1x16384xf32, #tpu.memory_space<hbm>>
        %dma_wait3A_297 = tpu.memref_squeeze %dma_wait3A_296 : memref<1x16384xf32, #tpu.memory_space<hbm>> -> memref<16384xf32, #tpu.memory_space<hbm>>
        tpu.wait_dma2 semaphore(%run_scoped3A_287 : memref<!tpu.dma_semaphore, #tpu.memory_space<semaphore_mem>>) src(%dma_wait3A_297 : memref<16384xf32, #tpu.memory_space<hbm>>) dst(%run_scoped3A : memref<16384xf32, #tpu.memory_space<vmem>>)
        tpu.yield
      }) : () -> ()
      %broadcast_in_dim3A_111 = arith.constant 0 : i32
      %broadcast_in_dim3A_112 = vector.broadcast %broadcast_in_dim3A_111 : i32 to vector<16xi32>
      %broadcast_in_dim3A_113 = arith.constant 2139095040 : i32
      %broadcast_in_dim3A_114 = vector.broadcast %broadcast_in_dim3A_113 : i32 to vector<16xi32>
      %scan3A_115 = arith.constant 0 : i32
      %scan3A_116 = arith.constant 31 : i32
      %scan3A_117 = arith.addi %scan3A_115, %scan3A_116 : i32
      %scan3A_118 = arith.constant 1 : i32
      %scan3A_119:2 = scf.for %scan3A_287 = %scan3A_115 to %scan3A_117 step %scan3A_118 iter_args(%scan3A_288 = %broadcast_in_dim3A_112, %scan3A_289 = %broadcast_in_dim3A_114) -> (vector<16xi32>, vector<16xi32>)  : i32 {
        %sub3A = arith.subi %scan3A_289, %scan3A_288 : vector<16xi32>
        %shift_right_arithmetic3A = arith.constant 1 : i32
        %shift_right_arithmetic3A_290 = vector.broadcast %shift_right_arithmetic3A : i32 to vector<16xi32>
        %shift_right_arithmetic3A_291 = arith.shrsi %sub3A, %shift_right_arithmetic3A_290 : vector<16xi32>
        %add3A_292 = arith.addi %scan3A_288, %shift_right_arithmetic3A_291 : vector<16xi32>
        %broadcast_in_dim3A_293 = arith.constant 0 : i32
        %broadcast_in_dim3A_294 = vector.broadcast %broadcast_in_dim3A_293 : i32 to vector<16xi32>
        %scan3A_295 = arith.constant 0 : i32
        %scan3A_296 = arith.constant 1024 : i32
        %scan3A_297 = arith.addi %scan3A_295, %scan3A_296 : i32
        %scan3A_298 = arith.constant 1 : i32
        %scan3A_299 = scf.for %scan3A_304 = %scan3A_295 to %scan3A_297 step %scan3A_298 iter_args(%scan3A_305 = %broadcast_in_dim3A_294) -> (vector<16xi32>)  : i32 {
          %mul3A_306 = arith.constant 16 : i32
          %mul3A_307 = arith.muli %scan3A_304, %mul3A_306 : i32
          %get3A = arith.index_cast %mul3A_307 : i32 to index
          %get3A_308 = tpu.vector_load %run_scoped3A[%get3A] {strides = array<i32>} : memref<16384xf32, #tpu.memory_space<vmem>>, vector<16xf32>,
          %get3A_309 = vector.shape_cast %get3A_308 : vector<16xf32> to vector<16xf32>
          %bitcast_convert_type3A = tpu.bitcast %get3A_309 : vector<16xf32> -> vector<16xi32>
          %ge3A_310 = arith.cmpi sge, %bitcast_convert_type3A, %add3A_292 : vector<16xi32>
          %jit3A = arith.constant 1 : i32
          %jit3A_311 = arith.constant 0 : i32
          %broadcast_in_dim3A_312 = vector.broadcast %jit3A : i32 to vector<16xi32>
          %broadcast_in_dim3A_313 = vector.broadcast %jit3A_311 : i32 to vector<16xi32>
          %select_n3A_314 = arith.select %ge3A_310, %broadcast_in_dim3A_312, %broadcast_in_dim3A_313 : vector<16xi1>, vector<16xi32>
          %add3A_315 = arith.addi %scan3A_305, %select_n3A_314 : vector<16xi32>
          scf.yield %add3A_315 : vector<16xi32>
        }
        %scan3A_300 = arith.constant 1024 : i32
        %ge3A = arith.constant 64 : i32
        %ge3A_301 = vector.broadcast %ge3A : i32 to vector<16xi32>
        %ge3A_302 = arith.cmpi sge, %scan3A_299, %ge3A_301 : vector<16xi32>
        %select_n3A = arith.select %ge3A_302, %add3A_292, %scan3A_288 : vector<16xi1>, vector<16xi32>
        %select_n3A_303 = arith.select %ge3A_302, %scan3A_289, %add3A_292 : vector<16xi1>, vector<16xi32>
        scf.yield %select_n3A, %select_n3A_303 : vector<16xi32>, vector<16xi32>
      }
      %scan3A_120 = arith.constant 31 : i32
      %swap3A_121 = arith.constant 0 : index
      %swap3A_122 = tpu.vector_load %run_scoped3A_1[%swap3A_121] {strides = array<i32>} : memref<16xi32, #tpu.memory_space<vmem>>, vector<16xi32>,
      %swap3A_123 = vector.shape_cast %swap3A_122 : vector<16xi32> to vector<16xi32>
      %swap3A_124 = vector.shape_cast %scan3A_119#0 : vector<16xi32> to vector<16xi32>
      tpu.vector_store %run_scoped3A_1[%swap3A_121], %swap3A_124 {strides = array<i32>} : memref<16xi32, #tpu.memory_space<vmem>>, vector<16xi32>,
      "tpu.region"() ({
        %run_scoped3A_287 = tpu.sem_alloc : memref<!tpu.dma_semaphore, #tpu.memory_space<semaphore_mem>>
        %dma_start3A = arith.constant 0 : i32
        %dma_start3A_288 = tpu.memref_slice %arg3[%add3A_110, %dma_start3A] : memref<512x16xi32, #tpu.memory_space<hbm>> -> memref<1x16xi32, #tpu.memory_space<hbm>>
        %dma_start3A_289 = tpu.memref_squeeze %dma_start3A_288 : memref<1x16xi32, #tpu.memory_space<hbm>> -> memref<16xi32, #tpu.memory_space<hbm>>
        %dma_start3A_290 = arith.constant 0 : i32
        %dma_start3A_291 = tpu.memref_slice %arg3[%add3A_110, %dma_start3A_290] : memref<512x16xi32, #tpu.memory_space<hbm>> -> memref<1x16xi32, #tpu.memory_space<hbm>>
        %dma_start3A_292 = tpu.memref_squeeze %dma_start3A_291 : memref<1x16xi32, #tpu.memory_space<hbm>> -> memref<16xi32, #tpu.memory_space<hbm>>
        tpu.enqueue_dma source(%run_scoped3A_1 : memref<16xi32, #tpu.memory_space<vmem>>) target(%dma_start3A_292 : memref<16xi32, #tpu.memory_space<hbm>>) target_semaphore(%run_scoped3A_287 : memref<!tpu.dma_semaphore, #tpu.memory_space<semaphore_mem>>)
        %dma_wait3A = arith.constant 0 : i32
        %dma_wait3A_293 = tpu.memref_slice %arg3[%add3A_110, %dma_wait3A] : memref<512x16xi32, #tpu.memory_space<hbm>> -> memref<1x16xi32, #tpu.memory_space<hbm>>
        %dma_wait3A_294 = tpu.memref_squeeze %dma_wait3A_293 : memref<1x16xi32, #tpu.memory_space<hbm>> -> memref<16xi32, #tpu.memory_space<hbm>>
        %dma_wait3A_295 = arith.constant 0 : i32
        %dma_wait3A_296 = tpu.memref_slice %arg3[%add3A_110, %dma_wait3A_295] : memref<512x16xi32, #tpu.memory_space<hbm>> -> memref<1x16xi32, #tpu.memory_space<hbm>>
        %dma_wait3A_297 = tpu.memref_squeeze %dma_wait3A_296 : memref<1x16xi32, #tpu.memory_space<hbm>> -> memref<16xi32, #tpu.memory_space<hbm>>
        tpu.wait_dma2 semaphore(%run_scoped3A_287 : memref<!tpu.dma_semaphore, #tpu.memory_space<semaphore_mem>>) src(%run_scoped3A_1 : memref<16xi32, #tpu.memory_space<vmem>>) dst(%dma_wait3A_297 : memref<16xi32, #tpu.memory_space<hbm>>)
        tpu.yield
      }) : () -> ()
      %mul3A_125 = arith.constant 16 : i32
      %mul3A_126 = arith.muli %add3A, %mul3A_125 : i32
      %add3A_127 = arith.constant 7 : i32
      %add3A_128 = arith.addi %mul3A_126, %add3A_127 : i32
      "tpu.region"() ({
        %run_scoped3A_287 = tpu.sem_alloc : memref<!tpu.dma_semaphore, #tpu.memory_space<semaphore_mem>>
        %dma_start3A = arith.constant 0 : i32
        %dma_start3A_288 = tpu.memref_slice %arg2[%add3A_128, %dma_start3A] : memref<512x16384xf32, #tpu.memory_space<hbm>> -> memref<1x16384xf32, #tpu.memory_space<hbm>>
        %dma_start3A_289 = tpu.memref_squeeze %dma_start3A_288 : memref<1x16384xf32, #tpu.memory_space<hbm>> -> memref<16384xf32, #tpu.memory_space<hbm>>
        %dma_start3A_290 = arith.constant 0 : i32
        %dma_start3A_291 = tpu.memref_slice %arg2[%add3A_128, %dma_start3A_290] : memref<512x16384xf32, #tpu.memory_space<hbm>> -> memref<1x16384xf32, #tpu.memory_space<hbm>>
        %dma_start3A_292 = tpu.memref_squeeze %dma_start3A_291 : memref<1x16384xf32, #tpu.memory_space<hbm>> -> memref<16384xf32, #tpu.memory_space<hbm>>
        tpu.enqueue_dma source(%dma_start3A_292 : memref<16384xf32, #tpu.memory_space<hbm>>) target(%run_scoped3A : memref<16384xf32, #tpu.memory_space<vmem>>) target_semaphore(%run_scoped3A_287 : memref<!tpu.dma_semaphore, #tpu.memory_space<semaphore_mem>>)
        %dma_wait3A = arith.constant 0 : i32
        %dma_wait3A_293 = tpu.memref_slice %arg2[%add3A_128, %dma_wait3A] : memref<512x16384xf32, #tpu.memory_space<hbm>> -> memref<1x16384xf32, #tpu.memory_space<hbm>>
        %dma_wait3A_294 = tpu.memref_squeeze %dma_wait3A_293 : memref<1x16384xf32, #tpu.memory_space<hbm>> -> memref<16384xf32, #tpu.memory_space<hbm>>
        %dma_wait3A_295 = arith.constant 0 : i32
        %dma_wait3A_296 = tpu.memref_slice %arg2[%add3A_128, %dma_wait3A_295] : memref<512x16384xf32, #tpu.memory_space<hbm>> -> memref<1x16384xf32, #tpu.memory_space<hbm>>
        %dma_wait3A_297 = tpu.memref_squeeze %dma_wait3A_296 : memref<1x16384xf32, #tpu.memory_space<hbm>> -> memref<16384xf32, #tpu.memory_space<hbm>>
        tpu.wait_dma2 semaphore(%run_scoped3A_287 : memref<!tpu.dma_semaphore, #tpu.memory_space<semaphore_mem>>) src(%dma_wait3A_297 : memref<16384xf32, #tpu.memory_space<hbm>>) dst(%run_scoped3A : memref<16384xf32, #tpu.memory_space<vmem>>)
        tpu.yield
      }) : () -> ()
      %broadcast_in_dim3A_129 = arith.constant 0 : i32
      %broadcast_in_dim3A_130 = vector.broadcast %broadcast_in_dim3A_129 : i32 to vector<16xi32>
      %broadcast_in_dim3A_131 = arith.constant 2139095040 : i32
      %broadcast_in_dim3A_132 = vector.broadcast %broadcast_in_dim3A_131 : i32 to vector<16xi32>
      %scan3A_133 = arith.constant 0 : i32
      %scan3A_134 = arith.constant 31 : i32
      %scan3A_135 = arith.addi %scan3A_133, %scan3A_134 : i32
      %scan3A_136 = arith.constant 1 : i32
      %scan3A_137:2 = scf.for %scan3A_287 = %scan3A_133 to %scan3A_135 step %scan3A_136 iter_args(%scan3A_288 = %broadcast_in_dim3A_130, %scan3A_289 = %broadcast_in_dim3A_132) -> (vector<16xi32>, vector<16xi32>)  : i32 {
        %sub3A = arith.subi %scan3A_289, %scan3A_288 : vector<16xi32>
        %shift_right_arithmetic3A = arith.constant 1 : i32
        %shift_right_arithmetic3A_290 = vector.broadcast %shift_right_arithmetic3A : i32 to vector<16xi32>
        %shift_right_arithmetic3A_291 = arith.shrsi %sub3A, %shift_right_arithmetic3A_290 : vector<16xi32>
        %add3A_292 = arith.addi %scan3A_288, %shift_right_arithmetic3A_291 : vector<16xi32>
        %broadcast_in_dim3A_293 = arith.constant 0 : i32
        %broadcast_in_dim3A_294 = vector.broadcast %broadcast_in_dim3A_293 : i32 to vector<16xi32>
        %scan3A_295 = arith.constant 0 : i32
        %scan3A_296 = arith.constant 1024 : i32
        %scan3A_297 = arith.addi %scan3A_295, %scan3A_296 : i32
        %scan3A_298 = arith.constant 1 : i32
        %scan3A_299 = scf.for %scan3A_304 = %scan3A_295 to %scan3A_297 step %scan3A_298 iter_args(%scan3A_305 = %broadcast_in_dim3A_294) -> (vector<16xi32>)  : i32 {
          %mul3A_306 = arith.constant 16 : i32
          %mul3A_307 = arith.muli %scan3A_304, %mul3A_306 : i32
          %get3A = arith.index_cast %mul3A_307 : i32 to index
          %get3A_308 = tpu.vector_load %run_scoped3A[%get3A] {strides = array<i32>} : memref<16384xf32, #tpu.memory_space<vmem>>, vector<16xf32>,
          %get3A_309 = vector.shape_cast %get3A_308 : vector<16xf32> to vector<16xf32>
          %bitcast_convert_type3A = tpu.bitcast %get3A_309 : vector<16xf32> -> vector<16xi32>
          %ge3A_310 = arith.cmpi sge, %bitcast_convert_type3A, %add3A_292 : vector<16xi32>
          %jit3A = arith.constant 1 : i32
          %jit3A_311 = arith.constant 0 : i32
          %broadcast_in_dim3A_312 = vector.broadcast %jit3A : i32 to vector<16xi32>
          %broadcast_in_dim3A_313 = vector.broadcast %jit3A_311 : i32 to vector<16xi32>
          %select_n3A_314 = arith.select %ge3A_310, %broadcast_in_dim3A_312, %broadcast_in_dim3A_313 : vector<16xi1>, vector<16xi32>
          %add3A_315 = arith.addi %scan3A_305, %select_n3A_314 : vector<16xi32>
          scf.yield %add3A_315 : vector<16xi32>
        }
        %scan3A_300 = arith.constant 1024 : i32
        %ge3A = arith.constant 64 : i32
        %ge3A_301 = vector.broadcast %ge3A : i32 to vector<16xi32>
        %ge3A_302 = arith.cmpi sge, %scan3A_299, %ge3A_301 : vector<16xi32>
        %select_n3A = arith.select %ge3A_302, %add3A_292, %scan3A_288 : vector<16xi1>, vector<16xi32>
        %select_n3A_303 = arith.select %ge3A_302, %scan3A_289, %add3A_292 : vector<16xi1>, vector<16xi32>
        scf.yield %select_n3A, %select_n3A_303 : vector<16xi32>, vector<16xi32>
      }
      %scan3A_138 = arith.constant 31 : i32
      %swap3A_139 = arith.constant 0 : index
      %swap3A_140 = tpu.vector_load %run_scoped3A_1[%swap3A_139] {strides = array<i32>} : memref<16xi32, #tpu.memory_space<vmem>>, vector<16xi32>,
      %swap3A_141 = vector.shape_cast %swap3A_140 : vector<16xi32> to vector<16xi32>
      %swap3A_142 = vector.shape_cast %scan3A_137#0 : vector<16xi32> to vector<16xi32>
      tpu.vector_store %run_scoped3A_1[%swap3A_139], %swap3A_142 {strides = array<i32>} : memref<16xi32, #tpu.memory_space<vmem>>, vector<16xi32>,
      "tpu.region"() ({
        %run_scoped3A_287 = tpu.sem_alloc : memref<!tpu.dma_semaphore, #tpu.memory_space<semaphore_mem>>
        %dma_start3A = arith.constant 0 : i32
        %dma_start3A_288 = tpu.memref_slice %arg3[%add3A_128, %dma_start3A] : memref<512x16xi32, #tpu.memory_space<hbm>> -> memref<1x16xi32, #tpu.memory_space<hbm>>
        %dma_start3A_289 = tpu.memref_squeeze %dma_start3A_288 : memref<1x16xi32, #tpu.memory_space<hbm>> -> memref<16xi32, #tpu.memory_space<hbm>>
        %dma_start3A_290 = arith.constant 0 : i32
        %dma_start3A_291 = tpu.memref_slice %arg3[%add3A_128, %dma_start3A_290] : memref<512x16xi32, #tpu.memory_space<hbm>> -> memref<1x16xi32, #tpu.memory_space<hbm>>
        %dma_start3A_292 = tpu.memref_squeeze %dma_start3A_291 : memref<1x16xi32, #tpu.memory_space<hbm>> -> memref<16xi32, #tpu.memory_space<hbm>>
        tpu.enqueue_dma source(%run_scoped3A_1 : memref<16xi32, #tpu.memory_space<vmem>>) target(%dma_start3A_292 : memref<16xi32, #tpu.memory_space<hbm>>) target_semaphore(%run_scoped3A_287 : memref<!tpu.dma_semaphore, #tpu.memory_space<semaphore_mem>>)
        %dma_wait3A = arith.constant 0 : i32
        %dma_wait3A_293 = tpu.memref_slice %arg3[%add3A_128, %dma_wait3A] : memref<512x16xi32, #tpu.memory_space<hbm>> -> memref<1x16xi32, #tpu.memory_space<hbm>>
        %dma_wait3A_294 = tpu.memref_squeeze %dma_wait3A_293 : memref<1x16xi32, #tpu.memory_space<hbm>> -> memref<16xi32, #tpu.memory_space<hbm>>
        %dma_wait3A_295 = arith.constant 0 : i32
        %dma_wait3A_296 = tpu.memref_slice %arg3[%add3A_128, %dma_wait3A_295] : memref<512x16xi32, #tpu.memory_space<hbm>> -> memref<1x16xi32, #tpu.memory_space<hbm>>
        %dma_wait3A_297 = tpu.memref_squeeze %dma_wait3A_296 : memref<1x16xi32, #tpu.memory_space<hbm>> -> memref<16xi32, #tpu.memory_space<hbm>>
        tpu.wait_dma2 semaphore(%run_scoped3A_287 : memref<!tpu.dma_semaphore, #tpu.memory_space<semaphore_mem>>) src(%run_scoped3A_1 : memref<16xi32, #tpu.memory_space<vmem>>) dst(%dma_wait3A_297 : memref<16xi32, #tpu.memory_space<hbm>>)
        tpu.yield
      }) : () -> ()
      %mul3A_143 = arith.constant 16 : i32
      %mul3A_144 = arith.muli %add3A, %mul3A_143 : i32
      %add3A_145 = arith.constant 8 : i32
      %add3A_146 = arith.addi %mul3A_144, %add3A_145 : i32
      "tpu.region"() ({
        %run_scoped3A_287 = tpu.sem_alloc : memref<!tpu.dma_semaphore, #tpu.memory_space<semaphore_mem>>
        %dma_start3A = arith.constant 0 : i32
        %dma_start3A_288 = tpu.memref_slice %arg2[%add3A_146, %dma_start3A] : memref<512x16384xf32, #tpu.memory_space<hbm>> -> memref<1x16384xf32, #tpu.memory_space<hbm>>
        %dma_start3A_289 = tpu.memref_squeeze %dma_start3A_288 : memref<1x16384xf32, #tpu.memory_space<hbm>> -> memref<16384xf32, #tpu.memory_space<hbm>>
        %dma_start3A_290 = arith.constant 0 : i32
        %dma_start3A_291 = tpu.memref_slice %arg2[%add3A_146, %dma_start3A_290] : memref<512x16384xf32, #tpu.memory_space<hbm>> -> memref<1x16384xf32, #tpu.memory_space<hbm>>
        %dma_start3A_292 = tpu.memref_squeeze %dma_start3A_291 : memref<1x16384xf32, #tpu.memory_space<hbm>> -> memref<16384xf32, #tpu.memory_space<hbm>>
        tpu.enqueue_dma source(%dma_start3A_292 : memref<16384xf32, #tpu.memory_space<hbm>>) target(%run_scoped3A : memref<16384xf32, #tpu.memory_space<vmem>>) target_semaphore(%run_scoped3A_287 : memref<!tpu.dma_semaphore, #tpu.memory_space<semaphore_mem>>)
        %dma_wait3A = arith.constant 0 : i32
        %dma_wait3A_293 = tpu.memref_slice %arg2[%add3A_146, %dma_wait3A] : memref<512x16384xf32, #tpu.memory_space<hbm>> -> memref<1x16384xf32, #tpu.memory_space<hbm>>
        %dma_wait3A_294 = tpu.memref_squeeze %dma_wait3A_293 : memref<1x16384xf32, #tpu.memory_space<hbm>> -> memref<16384xf32, #tpu.memory_space<hbm>>
        %dma_wait3A_295 = arith.constant 0 : i32
        %dma_wait3A_296 = tpu.memref_slice %arg2[%add3A_146, %dma_wait3A_295] : memref<512x16384xf32, #tpu.memory_space<hbm>> -> memref<1x16384xf32, #tpu.memory_space<hbm>>
        %dma_wait3A_297 = tpu.memref_squeeze %dma_wait3A_296 : memref<1x16384xf32, #tpu.memory_space<hbm>> -> memref<16384xf32, #tpu.memory_space<hbm>>
        tpu.wait_dma2 semaphore(%run_scoped3A_287 : memref<!tpu.dma_semaphore, #tpu.memory_space<semaphore_mem>>) src(%dma_wait3A_297 : memref<16384xf32, #tpu.memory_space<hbm>>) dst(%run_scoped3A : memref<16384xf32, #tpu.memory_space<vmem>>)
        tpu.yield
      }) : () -> ()
      %broadcast_in_dim3A_147 = arith.constant 0 : i32
      %broadcast_in_dim3A_148 = vector.broadcast %broadcast_in_dim3A_147 : i32 to vector<16xi32>
      %broadcast_in_dim3A_149 = arith.constant 2139095040 : i32
      %broadcast_in_dim3A_150 = vector.broadcast %broadcast_in_dim3A_149 : i32 to vector<16xi32>
      %scan3A_151 = arith.constant 0 : i32
      %scan3A_152 = arith.constant 31 : i32
      %scan3A_153 = arith.addi %scan3A_151, %scan3A_152 : i32
      %scan3A_154 = arith.constant 1 : i32
      %scan3A_155:2 = scf.for %scan3A_287 = %scan3A_151 to %scan3A_153 step %scan3A_154 iter_args(%scan3A_288 = %broadcast_in_dim3A_148, %scan3A_289 = %broadcast_in_dim3A_150) -> (vector<16xi32>, vector<16xi32>)  : i32 {
        %sub3A = arith.subi %scan3A_289, %scan3A_288 : vector<16xi32>
        %shift_right_arithmetic3A = arith.constant 1 : i32
        %shift_right_arithmetic3A_290 = vector.broadcast %shift_right_arithmetic3A : i32 to vector<16xi32>
        %shift_right_arithmetic3A_291 = arith.shrsi %sub3A, %shift_right_arithmetic3A_290 : vector<16xi32>
        %add3A_292 = arith.addi %scan3A_288, %shift_right_arithmetic3A_291 : vector<16xi32>
        %broadcast_in_dim3A_293 = arith.constant 0 : i32
        %broadcast_in_dim3A_294 = vector.broadcast %broadcast_in_dim3A_293 : i32 to vector<16xi32>
        %scan3A_295 = arith.constant 0 : i32
        %scan3A_296 = arith.constant 1024 : i32
        %scan3A_297 = arith.addi %scan3A_295, %scan3A_296 : i32
        %scan3A_298 = arith.constant 1 : i32
        %scan3A_299 = scf.for %scan3A_304 = %scan3A_295 to %scan3A_297 step %scan3A_298 iter_args(%scan3A_305 = %broadcast_in_dim3A_294) -> (vector<16xi32>)  : i32 {
          %mul3A_306 = arith.constant 16 : i32
          %mul3A_307 = arith.muli %scan3A_304, %mul3A_306 : i32
          %get3A = arith.index_cast %mul3A_307 : i32 to index
          %get3A_308 = tpu.vector_load %run_scoped3A[%get3A] {strides = array<i32>} : memref<16384xf32, #tpu.memory_space<vmem>>, vector<16xf32>,
          %get3A_309 = vector.shape_cast %get3A_308 : vector<16xf32> to vector<16xf32>
          %bitcast_convert_type3A = tpu.bitcast %get3A_309 : vector<16xf32> -> vector<16xi32>
          %ge3A_310 = arith.cmpi sge, %bitcast_convert_type3A, %add3A_292 : vector<16xi32>
          %jit3A = arith.constant 1 : i32
          %jit3A_311 = arith.constant 0 : i32
          %broadcast_in_dim3A_312 = vector.broadcast %jit3A : i32 to vector<16xi32>
          %broadcast_in_dim3A_313 = vector.broadcast %jit3A_311 : i32 to vector<16xi32>
          %select_n3A_314 = arith.select %ge3A_310, %broadcast_in_dim3A_312, %broadcast_in_dim3A_313 : vector<16xi1>, vector<16xi32>
          %add3A_315 = arith.addi %scan3A_305, %select_n3A_314 : vector<16xi32>
          scf.yield %add3A_315 : vector<16xi32>
        }
        %scan3A_300 = arith.constant 1024 : i32
        %ge3A = arith.constant 64 : i32
        %ge3A_301 = vector.broadcast %ge3A : i32 to vector<16xi32>
        %ge3A_302 = arith.cmpi sge, %scan3A_299, %ge3A_301 : vector<16xi32>
        %select_n3A = arith.select %ge3A_302, %add3A_292, %scan3A_288 : vector<16xi1>, vector<16xi32>
        %select_n3A_303 = arith.select %ge3A_302, %scan3A_289, %add3A_292 : vector<16xi1>, vector<16xi32>
        scf.yield %select_n3A, %select_n3A_303 : vector<16xi32>, vector<16xi32>
      }
      %scan3A_156 = arith.constant 31 : i32
      %swap3A_157 = arith.constant 0 : index
      %swap3A_158 = tpu.vector_load %run_scoped3A_1[%swap3A_157] {strides = array<i32>} : memref<16xi32, #tpu.memory_space<vmem>>, vector<16xi32>,
      %swap3A_159 = vector.shape_cast %swap3A_158 : vector<16xi32> to vector<16xi32>
      %swap3A_160 = vector.shape_cast %scan3A_155#0 : vector<16xi32> to vector<16xi32>
      tpu.vector_store %run_scoped3A_1[%swap3A_157], %swap3A_160 {strides = array<i32>} : memref<16xi32, #tpu.memory_space<vmem>>, vector<16xi32>,
      "tpu.region"() ({
        %run_scoped3A_287 = tpu.sem_alloc : memref<!tpu.dma_semaphore, #tpu.memory_space<semaphore_mem>>
        %dma_start3A = arith.constant 0 : i32
        %dma_start3A_288 = tpu.memref_slice %arg3[%add3A_146, %dma_start3A] : memref<512x16xi32, #tpu.memory_space<hbm>> -> memref<1x16xi32, #tpu.memory_space<hbm>>
        %dma_start3A_289 = tpu.memref_squeeze %dma_start3A_288 : memref<1x16xi32, #tpu.memory_space<hbm>> -> memref<16xi32, #tpu.memory_space<hbm>>
        %dma_start3A_290 = arith.constant 0 : i32
        %dma_start3A_291 = tpu.memref_slice %arg3[%add3A_146, %dma_start3A_290] : memref<512x16xi32, #tpu.memory_space<hbm>> -> memref<1x16xi32, #tpu.memory_space<hbm>>
        %dma_start3A_292 = tpu.memref_squeeze %dma_start3A_291 : memref<1x16xi32, #tpu.memory_space<hbm>> -> memref<16xi32, #tpu.memory_space<hbm>>
        tpu.enqueue_dma source(%run_scoped3A_1 : memref<16xi32, #tpu.memory_space<vmem>>) target(%dma_start3A_292 : memref<16xi32, #tpu.memory_space<hbm>>) target_semaphore(%run_scoped3A_287 : memref<!tpu.dma_semaphore, #tpu.memory_space<semaphore_mem>>)
        %dma_wait3A = arith.constant 0 : i32
        %dma_wait3A_293 = tpu.memref_slice %arg3[%add3A_146, %dma_wait3A] : memref<512x16xi32, #tpu.memory_space<hbm>> -> memref<1x16xi32, #tpu.memory_space<hbm>>
        %dma_wait3A_294 = tpu.memref_squeeze %dma_wait3A_293 : memref<1x16xi32, #tpu.memory_space<hbm>> -> memref<16xi32, #tpu.memory_space<hbm>>
        %dma_wait3A_295 = arith.constant 0 : i32
        %dma_wait3A_296 = tpu.memref_slice %arg3[%add3A_146, %dma_wait3A_295] : memref<512x16xi32, #tpu.memory_space<hbm>> -> memref<1x16xi32, #tpu.memory_space<hbm>>
        %dma_wait3A_297 = tpu.memref_squeeze %dma_wait3A_296 : memref<1x16xi32, #tpu.memory_space<hbm>> -> memref<16xi32, #tpu.memory_space<hbm>>
        tpu.wait_dma2 semaphore(%run_scoped3A_287 : memref<!tpu.dma_semaphore, #tpu.memory_space<semaphore_mem>>) src(%run_scoped3A_1 : memref<16xi32, #tpu.memory_space<vmem>>) dst(%dma_wait3A_297 : memref<16xi32, #tpu.memory_space<hbm>>)
        tpu.yield
      }) : () -> ()
      %mul3A_161 = arith.constant 16 : i32
      %mul3A_162 = arith.muli %add3A, %mul3A_161 : i32
      %add3A_163 = arith.constant 9 : i32
      %add3A_164 = arith.addi %mul3A_162, %add3A_163 : i32
      "tpu.region"() ({
        %run_scoped3A_287 = tpu.sem_alloc : memref<!tpu.dma_semaphore, #tpu.memory_space<semaphore_mem>>
        %dma_start3A = arith.constant 0 : i32
        %dma_start3A_288 = tpu.memref_slice %arg2[%add3A_164, %dma_start3A] : memref<512x16384xf32, #tpu.memory_space<hbm>> -> memref<1x16384xf32, #tpu.memory_space<hbm>>
        %dma_start3A_289 = tpu.memref_squeeze %dma_start3A_288 : memref<1x16384xf32, #tpu.memory_space<hbm>> -> memref<16384xf32, #tpu.memory_space<hbm>>
        %dma_start3A_290 = arith.constant 0 : i32
        %dma_start3A_291 = tpu.memref_slice %arg2[%add3A_164, %dma_start3A_290] : memref<512x16384xf32, #tpu.memory_space<hbm>> -> memref<1x16384xf32, #tpu.memory_space<hbm>>
        %dma_start3A_292 = tpu.memref_squeeze %dma_start3A_291 : memref<1x16384xf32, #tpu.memory_space<hbm>> -> memref<16384xf32, #tpu.memory_space<hbm>>
        tpu.enqueue_dma source(%dma_start3A_292 : memref<16384xf32, #tpu.memory_space<hbm>>) target(%run_scoped3A : memref<16384xf32, #tpu.memory_space<vmem>>) target_semaphore(%run_scoped3A_287 : memref<!tpu.dma_semaphore, #tpu.memory_space<semaphore_mem>>)
        %dma_wait3A = arith.constant 0 : i32
        %dma_wait3A_293 = tpu.memref_slice %arg2[%add3A_164, %dma_wait3A] : memref<512x16384xf32, #tpu.memory_space<hbm>> -> memref<1x16384xf32, #tpu.memory_space<hbm>>
        %dma_wait3A_294 = tpu.memref_squeeze %dma_wait3A_293 : memref<1x16384xf32, #tpu.memory_space<hbm>> -> memref<16384xf32, #tpu.memory_space<hbm>>
        %dma_wait3A_295 = arith.constant 0 : i32
        %dma_wait3A_296 = tpu.memref_slice %arg2[%add3A_164, %dma_wait3A_295] : memref<512x16384xf32, #tpu.memory_space<hbm>> -> memref<1x16384xf32, #tpu.memory_space<hbm>>
        %dma_wait3A_297 = tpu.memref_squeeze %dma_wait3A_296 : memref<1x16384xf32, #tpu.memory_space<hbm>> -> memref<16384xf32, #tpu.memory_space<hbm>>
        tpu.wait_dma2 semaphore(%run_scoped3A_287 : memref<!tpu.dma_semaphore, #tpu.memory_space<semaphore_mem>>) src(%dma_wait3A_297 : memref<16384xf32, #tpu.memory_space<hbm>>) dst(%run_scoped3A : memref<16384xf32, #tpu.memory_space<vmem>>)
        tpu.yield
      }) : () -> ()
      %broadcast_in_dim3A_165 = arith.constant 0 : i32
      %broadcast_in_dim3A_166 = vector.broadcast %broadcast_in_dim3A_165 : i32 to vector<16xi32>
      %broadcast_in_dim3A_167 = arith.constant 2139095040 : i32
      %broadcast_in_dim3A_168 = vector.broadcast %broadcast_in_dim3A_167 : i32 to vector<16xi32>
      %scan3A_169 = arith.constant 0 : i32
      %scan3A_170 = arith.constant 31 : i32
      %scan3A_171 = arith.addi %scan3A_169, %scan3A_170 : i32
      %scan3A_172 = arith.constant 1 : i32
      %scan3A_173:2 = scf.for %scan3A_287 = %scan3A_169 to %scan3A_171 step %scan3A_172 iter_args(%scan3A_288 = %broadcast_in_dim3A_166, %scan3A_289 = %broadcast_in_dim3A_168) -> (vector<16xi32>, vector<16xi32>)  : i32 {
        %sub3A = arith.subi %scan3A_289, %scan3A_288 : vector<16xi32>
        %shift_right_arithmetic3A = arith.constant 1 : i32
        %shift_right_arithmetic3A_290 = vector.broadcast %shift_right_arithmetic3A : i32 to vector<16xi32>
        %shift_right_arithmetic3A_291 = arith.shrsi %sub3A, %shift_right_arithmetic3A_290 : vector<16xi32>
        %add3A_292 = arith.addi %scan3A_288, %shift_right_arithmetic3A_291 : vector<16xi32>
        %broadcast_in_dim3A_293 = arith.constant 0 : i32
        %broadcast_in_dim3A_294 = vector.broadcast %broadcast_in_dim3A_293 : i32 to vector<16xi32>
        %scan3A_295 = arith.constant 0 : i32
        %scan3A_296 = arith.constant 1024 : i32
        %scan3A_297 = arith.addi %scan3A_295, %scan3A_296 : i32
        %scan3A_298 = arith.constant 1 : i32
        %scan3A_299 = scf.for %scan3A_304 = %scan3A_295 to %scan3A_297 step %scan3A_298 iter_args(%scan3A_305 = %broadcast_in_dim3A_294) -> (vector<16xi32>)  : i32 {
          %mul3A_306 = arith.constant 16 : i32
          %mul3A_307 = arith.muli %scan3A_304, %mul3A_306 : i32
          %get3A = arith.index_cast %mul3A_307 : i32 to index
          %get3A_308 = tpu.vector_load %run_scoped3A[%get3A] {strides = array<i32>} : memref<16384xf32, #tpu.memory_space<vmem>>, vector<16xf32>,
          %get3A_309 = vector.shape_cast %get3A_308 : vector<16xf32> to vector<16xf32>
          %bitcast_convert_type3A = tpu.bitcast %get3A_309 : vector<16xf32> -> vector<16xi32>
          %ge3A_310 = arith.cmpi sge, %bitcast_convert_type3A, %add3A_292 : vector<16xi32>
          %jit3A = arith.constant 1 : i32
          %jit3A_311 = arith.constant 0 : i32
          %broadcast_in_dim3A_312 = vector.broadcast %jit3A : i32 to vector<16xi32>
          %broadcast_in_dim3A_313 = vector.broadcast %jit3A_311 : i32 to vector<16xi32>
          %select_n3A_314 = arith.select %ge3A_310, %broadcast_in_dim3A_312, %broadcast_in_dim3A_313 : vector<16xi1>, vector<16xi32>
          %add3A_315 = arith.addi %scan3A_305, %select_n3A_314 : vector<16xi32>
          scf.yield %add3A_315 : vector<16xi32>
        }
        %scan3A_300 = arith.constant 1024 : i32
        %ge3A = arith.constant 64 : i32
        %ge3A_301 = vector.broadcast %ge3A : i32 to vector<16xi32>
        %ge3A_302 = arith.cmpi sge, %scan3A_299, %ge3A_301 : vector<16xi32>
        %select_n3A = arith.select %ge3A_302, %add3A_292, %scan3A_288 : vector<16xi1>, vector<16xi32>
        %select_n3A_303 = arith.select %ge3A_302, %scan3A_289, %add3A_292 : vector<16xi1>, vector<16xi32>
        scf.yield %select_n3A, %select_n3A_303 : vector<16xi32>, vector<16xi32>
      }
      %scan3A_174 = arith.constant 31 : i32
      %swap3A_175 = arith.constant 0 : index
      %swap3A_176 = tpu.vector_load %run_scoped3A_1[%swap3A_175] {strides = array<i32>} : memref<16xi32, #tpu.memory_space<vmem>>, vector<16xi32>,
      %swap3A_177 = vector.shape_cast %swap3A_176 : vector<16xi32> to vector<16xi32>
      %swap3A_178 = vector.shape_cast %scan3A_173#0 : vector<16xi32> to vector<16xi32>
      tpu.vector_store %run_scoped3A_1[%swap3A_175], %swap3A_178 {strides = array<i32>} : memref<16xi32, #tpu.memory_space<vmem>>, vector<16xi32>,
      "tpu.region"() ({
        %run_scoped3A_287 = tpu.sem_alloc : memref<!tpu.dma_semaphore, #tpu.memory_space<semaphore_mem>>
        %dma_start3A = arith.constant 0 : i32
        %dma_start3A_288 = tpu.memref_slice %arg3[%add3A_164, %dma_start3A] : memref<512x16xi32, #tpu.memory_space<hbm>> -> memref<1x16xi32, #tpu.memory_space<hbm>>
        %dma_start3A_289 = tpu.memref_squeeze %dma_start3A_288 : memref<1x16xi32, #tpu.memory_space<hbm>> -> memref<16xi32, #tpu.memory_space<hbm>>
        %dma_start3A_290 = arith.constant 0 : i32
        %dma_start3A_291 = tpu.memref_slice %arg3[%add3A_164, %dma_start3A_290] : memref<512x16xi32, #tpu.memory_space<hbm>> -> memref<1x16xi32, #tpu.memory_space<hbm>>
        %dma_start3A_292 = tpu.memref_squeeze %dma_start3A_291 : memref<1x16xi32, #tpu.memory_space<hbm>> -> memref<16xi32, #tpu.memory_space<hbm>>
        tpu.enqueue_dma source(%run_scoped3A_1 : memref<16xi32, #tpu.memory_space<vmem>>) target(%dma_start3A_292 : memref<16xi32, #tpu.memory_space<hbm>>) target_semaphore(%run_scoped3A_287 : memref<!tpu.dma_semaphore, #tpu.memory_space<semaphore_mem>>)
        %dma_wait3A = arith.constant 0 : i32
        %dma_wait3A_293 = tpu.memref_slice %arg3[%add3A_164, %dma_wait3A] : memref<512x16xi32, #tpu.memory_space<hbm>> -> memref<1x16xi32, #tpu.memory_space<hbm>>
        %dma_wait3A_294 = tpu.memref_squeeze %dma_wait3A_293 : memref<1x16xi32, #tpu.memory_space<hbm>> -> memref<16xi32, #tpu.memory_space<hbm>>
        %dma_wait3A_295 = arith.constant 0 : i32
        %dma_wait3A_296 = tpu.memref_slice %arg3[%add3A_164, %dma_wait3A_295] : memref<512x16xi32, #tpu.memory_space<hbm>> -> memref<1x16xi32, #tpu.memory_space<hbm>>
        %dma_wait3A_297 = tpu.memref_squeeze %dma_wait3A_296 : memref<1x16xi32, #tpu.memory_space<hbm>> -> memref<16xi32, #tpu.memory_space<hbm>>
        tpu.wait_dma2 semaphore(%run_scoped3A_287 : memref<!tpu.dma_semaphore, #tpu.memory_space<semaphore_mem>>) src(%run_scoped3A_1 : memref<16xi32, #tpu.memory_space<vmem>>) dst(%dma_wait3A_297 : memref<16xi32, #tpu.memory_space<hbm>>)
        tpu.yield
      }) : () -> ()
      %mul3A_179 = arith.constant 16 : i32
      %mul3A_180 = arith.muli %add3A, %mul3A_179 : i32
      %add3A_181 = arith.constant 10 : i32
      %add3A_182 = arith.addi %mul3A_180, %add3A_181 : i32
      "tpu.region"() ({
        %run_scoped3A_287 = tpu.sem_alloc : memref<!tpu.dma_semaphore, #tpu.memory_space<semaphore_mem>>
        %dma_start3A = arith.constant 0 : i32
        %dma_start3A_288 = tpu.memref_slice %arg2[%add3A_182, %dma_start3A] : memref<512x16384xf32, #tpu.memory_space<hbm>> -> memref<1x16384xf32, #tpu.memory_space<hbm>>
        %dma_start3A_289 = tpu.memref_squeeze %dma_start3A_288 : memref<1x16384xf32, #tpu.memory_space<hbm>> -> memref<16384xf32, #tpu.memory_space<hbm>>
        %dma_start3A_290 = arith.constant 0 : i32
        %dma_start3A_291 = tpu.memref_slice %arg2[%add3A_182, %dma_start3A_290] : memref<512x16384xf32, #tpu.memory_space<hbm>> -> memref<1x16384xf32, #tpu.memory_space<hbm>>
        %dma_start3A_292 = tpu.memref_squeeze %dma_start3A_291 : memref<1x16384xf32, #tpu.memory_space<hbm>> -> memref<16384xf32, #tpu.memory_space<hbm>>
        tpu.enqueue_dma source(%dma_start3A_292 : memref<16384xf32, #tpu.memory_space<hbm>>) target(%run_scoped3A : memref<16384xf32, #tpu.memory_space<vmem>>) target_semaphore(%run_scoped3A_287 : memref<!tpu.dma_semaphore, #tpu.memory_space<semaphore_mem>>)
        %dma_wait3A = arith.constant 0 : i32
        %dma_wait3A_293 = tpu.memref_slice %arg2[%add3A_182, %dma_wait3A] : memref<512x16384xf32, #tpu.memory_space<hbm>> -> memref<1x16384xf32, #tpu.memory_space<hbm>>
        %dma_wait3A_294 = tpu.memref_squeeze %dma_wait3A_293 : memref<1x16384xf32, #tpu.memory_space<hbm>> -> memref<16384xf32, #tpu.memory_space<hbm>>
        %dma_wait3A_295 = arith.constant 0 : i32
        %dma_wait3A_296 = tpu.memref_slice %arg2[%add3A_182, %dma_wait3A_295] : memref<512x16384xf32, #tpu.memory_space<hbm>> -> memref<1x16384xf32, #tpu.memory_space<hbm>>
        %dma_wait3A_297 = tpu.memref_squeeze %dma_wait3A_296 : memref<1x16384xf32, #tpu.memory_space<hbm>> -> memref<16384xf32, #tpu.memory_space<hbm>>
        tpu.wait_dma2 semaphore(%run_scoped3A_287 : memref<!tpu.dma_semaphore, #tpu.memory_space<semaphore_mem>>) src(%dma_wait3A_297 : memref<16384xf32, #tpu.memory_space<hbm>>) dst(%run_scoped3A : memref<16384xf32, #tpu.memory_space<vmem>>)
        tpu.yield
      }) : () -> ()
      %broadcast_in_dim3A_183 = arith.constant 0 : i32
      %broadcast_in_dim3A_184 = vector.broadcast %broadcast_in_dim3A_183 : i32 to vector<16xi32>
      %broadcast_in_dim3A_185 = arith.constant 2139095040 : i32
      %broadcast_in_dim3A_186 = vector.broadcast %broadcast_in_dim3A_185 : i32 to vector<16xi32>
      %scan3A_187 = arith.constant 0 : i32
      %scan3A_188 = arith.constant 31 : i32
      %scan3A_189 = arith.addi %scan3A_187, %scan3A_188 : i32
      %scan3A_190 = arith.constant 1 : i32
      %scan3A_191:2 = scf.for %scan3A_287 = %scan3A_187 to %scan3A_189 step %scan3A_190 iter_args(%scan3A_288 = %broadcast_in_dim3A_184, %scan3A_289 = %broadcast_in_dim3A_186) -> (vector<16xi32>, vector<16xi32>)  : i32 {
        %sub3A = arith.subi %scan3A_289, %scan3A_288 : vector<16xi32>
        %shift_right_arithmetic3A = arith.constant 1 : i32
        %shift_right_arithmetic3A_290 = vector.broadcast %shift_right_arithmetic3A : i32 to vector<16xi32>
        %shift_right_arithmetic3A_291 = arith.shrsi %sub3A, %shift_right_arithmetic3A_290 : vector<16xi32>
        %add3A_292 = arith.addi %scan3A_288, %shift_right_arithmetic3A_291 : vector<16xi32>
        %broadcast_in_dim3A_293 = arith.constant 0 : i32
        %broadcast_in_dim3A_294 = vector.broadcast %broadcast_in_dim3A_293 : i32 to vector<16xi32>
        %scan3A_295 = arith.constant 0 : i32
        %scan3A_296 = arith.constant 1024 : i32
        %scan3A_297 = arith.addi %scan3A_295, %scan3A_296 : i32
        %scan3A_298 = arith.constant 1 : i32
        %scan3A_299 = scf.for %scan3A_304 = %scan3A_295 to %scan3A_297 step %scan3A_298 iter_args(%scan3A_305 = %broadcast_in_dim3A_294) -> (vector<16xi32>)  : i32 {
          %mul3A_306 = arith.constant 16 : i32
          %mul3A_307 = arith.muli %scan3A_304, %mul3A_306 : i32
          %get3A = arith.index_cast %mul3A_307 : i32 to index
          %get3A_308 = tpu.vector_load %run_scoped3A[%get3A] {strides = array<i32>} : memref<16384xf32, #tpu.memory_space<vmem>>, vector<16xf32>,
          %get3A_309 = vector.shape_cast %get3A_308 : vector<16xf32> to vector<16xf32>
          %bitcast_convert_type3A = tpu.bitcast %get3A_309 : vector<16xf32> -> vector<16xi32>
          %ge3A_310 = arith.cmpi sge, %bitcast_convert_type3A, %add3A_292 : vector<16xi32>
          %jit3A = arith.constant 1 : i32
          %jit3A_311 = arith.constant 0 : i32
          %broadcast_in_dim3A_312 = vector.broadcast %jit3A : i32 to vector<16xi32>
          %broadcast_in_dim3A_313 = vector.broadcast %jit3A_311 : i32 to vector<16xi32>
          %select_n3A_314 = arith.select %ge3A_310, %broadcast_in_dim3A_312, %broadcast_in_dim3A_313 : vector<16xi1>, vector<16xi32>
          %add3A_315 = arith.addi %scan3A_305, %select_n3A_314 : vector<16xi32>
          scf.yield %add3A_315 : vector<16xi32>
        }
        %scan3A_300 = arith.constant 1024 : i32
        %ge3A = arith.constant 64 : i32
        %ge3A_301 = vector.broadcast %ge3A : i32 to vector<16xi32>
        %ge3A_302 = arith.cmpi sge, %scan3A_299, %ge3A_301 : vector<16xi32>
        %select_n3A = arith.select %ge3A_302, %add3A_292, %scan3A_288 : vector<16xi1>, vector<16xi32>
        %select_n3A_303 = arith.select %ge3A_302, %scan3A_289, %add3A_292 : vector<16xi1>, vector<16xi32>
        scf.yield %select_n3A, %select_n3A_303 : vector<16xi32>, vector<16xi32>
      }
      %scan3A_192 = arith.constant 31 : i32
      %swap3A_193 = arith.constant 0 : index
      %swap3A_194 = tpu.vector_load %run_scoped3A_1[%swap3A_193] {strides = array<i32>} : memref<16xi32, #tpu.memory_space<vmem>>, vector<16xi32>,
      %swap3A_195 = vector.shape_cast %swap3A_194 : vector<16xi32> to vector<16xi32>
      %swap3A_196 = vector.shape_cast %scan3A_191#0 : vector<16xi32> to vector<16xi32>
      tpu.vector_store %run_scoped3A_1[%swap3A_193], %swap3A_196 {strides = array<i32>} : memref<16xi32, #tpu.memory_space<vmem>>, vector<16xi32>,
      "tpu.region"() ({
        %run_scoped3A_287 = tpu.sem_alloc : memref<!tpu.dma_semaphore, #tpu.memory_space<semaphore_mem>>
        %dma_start3A = arith.constant 0 : i32
        %dma_start3A_288 = tpu.memref_slice %arg3[%add3A_182, %dma_start3A] : memref<512x16xi32, #tpu.memory_space<hbm>> -> memref<1x16xi32, #tpu.memory_space<hbm>>
        %dma_start3A_289 = tpu.memref_squeeze %dma_start3A_288 : memref<1x16xi32, #tpu.memory_space<hbm>> -> memref<16xi32, #tpu.memory_space<hbm>>
        %dma_start3A_290 = arith.constant 0 : i32
        %dma_start3A_291 = tpu.memref_slice %arg3[%add3A_182, %dma_start3A_290] : memref<512x16xi32, #tpu.memory_space<hbm>> -> memref<1x16xi32, #tpu.memory_space<hbm>>
        %dma_start3A_292 = tpu.memref_squeeze %dma_start3A_291 : memref<1x16xi32, #tpu.memory_space<hbm>> -> memref<16xi32, #tpu.memory_space<hbm>>
        tpu.enqueue_dma source(%run_scoped3A_1 : memref<16xi32, #tpu.memory_space<vmem>>) target(%dma_start3A_292 : memref<16xi32, #tpu.memory_space<hbm>>) target_semaphore(%run_scoped3A_287 : memref<!tpu.dma_semaphore, #tpu.memory_space<semaphore_mem>>)
        %dma_wait3A = arith.constant 0 : i32
        %dma_wait3A_293 = tpu.memref_slice %arg3[%add3A_182, %dma_wait3A] : memref<512x16xi32, #tpu.memory_space<hbm>> -> memref<1x16xi32, #tpu.memory_space<hbm>>
        %dma_wait3A_294 = tpu.memref_squeeze %dma_wait3A_293 : memref<1x16xi32, #tpu.memory_space<hbm>> -> memref<16xi32, #tpu.memory_space<hbm>>
        %dma_wait3A_295 = arith.constant 0 : i32
        %dma_wait3A_296 = tpu.memref_slice %arg3[%add3A_182, %dma_wait3A_295] : memref<512x16xi32, #tpu.memory_space<hbm>> -> memref<1x16xi32, #tpu.memory_space<hbm>>
        %dma_wait3A_297 = tpu.memref_squeeze %dma_wait3A_296 : memref<1x16xi32, #tpu.memory_space<hbm>> -> memref<16xi32, #tpu.memory_space<hbm>>
        tpu.wait_dma2 semaphore(%run_scoped3A_287 : memref<!tpu.dma_semaphore, #tpu.memory_space<semaphore_mem>>) src(%run_scoped3A_1 : memref<16xi32, #tpu.memory_space<vmem>>) dst(%dma_wait3A_297 : memref<16xi32, #tpu.memory_space<hbm>>)
        tpu.yield
      }) : () -> ()
      %mul3A_197 = arith.constant 16 : i32
      %mul3A_198 = arith.muli %add3A, %mul3A_197 : i32
      %add3A_199 = arith.constant 11 : i32
      %add3A_200 = arith.addi %mul3A_198, %add3A_199 : i32
      "tpu.region"() ({
        %run_scoped3A_287 = tpu.sem_alloc : memref<!tpu.dma_semaphore, #tpu.memory_space<semaphore_mem>>
        %dma_start3A = arith.constant 0 : i32
        %dma_start3A_288 = tpu.memref_slice %arg2[%add3A_200, %dma_start3A] : memref<512x16384xf32, #tpu.memory_space<hbm>> -> memref<1x16384xf32, #tpu.memory_space<hbm>>
        %dma_start3A_289 = tpu.memref_squeeze %dma_start3A_288 : memref<1x16384xf32, #tpu.memory_space<hbm>> -> memref<16384xf32, #tpu.memory_space<hbm>>
        %dma_start3A_290 = arith.constant 0 : i32
        %dma_start3A_291 = tpu.memref_slice %arg2[%add3A_200, %dma_start3A_290] : memref<512x16384xf32, #tpu.memory_space<hbm>> -> memref<1x16384xf32, #tpu.memory_space<hbm>>
        %dma_start3A_292 = tpu.memref_squeeze %dma_start3A_291 : memref<1x16384xf32, #tpu.memory_space<hbm>> -> memref<16384xf32, #tpu.memory_space<hbm>>
        tpu.enqueue_dma source(%dma_start3A_292 : memref<16384xf32, #tpu.memory_space<hbm>>) target(%run_scoped3A : memref<16384xf32, #tpu.memory_space<vmem>>) target_semaphore(%run_scoped3A_287 : memref<!tpu.dma_semaphore, #tpu.memory_space<semaphore_mem>>)
        %dma_wait3A = arith.constant 0 : i32
        %dma_wait3A_293 = tpu.memref_slice %arg2[%add3A_200, %dma_wait3A] : memref<512x16384xf32, #tpu.memory_space<hbm>> -> memref<1x16384xf32, #tpu.memory_space<hbm>>
        %dma_wait3A_294 = tpu.memref_squeeze %dma_wait3A_293 : memref<1x16384xf32, #tpu.memory_space<hbm>> -> memref<16384xf32, #tpu.memory_space<hbm>>
        %dma_wait3A_295 = arith.constant 0 : i32
        %dma_wait3A_296 = tpu.memref_slice %arg2[%add3A_200, %dma_wait3A_295] : memref<512x16384xf32, #tpu.memory_space<hbm>> -> memref<1x16384xf32, #tpu.memory_space<hbm>>
        %dma_wait3A_297 = tpu.memref_squeeze %dma_wait3A_296 : memref<1x16384xf32, #tpu.memory_space<hbm>> -> memref<16384xf32, #tpu.memory_space<hbm>>
        tpu.wait_dma2 semaphore(%run_scoped3A_287 : memref<!tpu.dma_semaphore, #tpu.memory_space<semaphore_mem>>) src(%dma_wait3A_297 : memref<16384xf32, #tpu.memory_space<hbm>>) dst(%run_scoped3A : memref<16384xf32, #tpu.memory_space<vmem>>)
        tpu.yield
      }) : () -> ()
      %broadcast_in_dim3A_201 = arith.constant 0 : i32
      %broadcast_in_dim3A_202 = vector.broadcast %broadcast_in_dim3A_201 : i32 to vector<16xi32>
      %broadcast_in_dim3A_203 = arith.constant 2139095040 : i32
      %broadcast_in_dim3A_204 = vector.broadcast %broadcast_in_dim3A_203 : i32 to vector<16xi32>
      %scan3A_205 = arith.constant 0 : i32
      %scan3A_206 = arith.constant 31 : i32
      %scan3A_207 = arith.addi %scan3A_205, %scan3A_206 : i32
      %scan3A_208 = arith.constant 1 : i32
      %scan3A_209:2 = scf.for %scan3A_287 = %scan3A_205 to %scan3A_207 step %scan3A_208 iter_args(%scan3A_288 = %broadcast_in_dim3A_202, %scan3A_289 = %broadcast_in_dim3A_204) -> (vector<16xi32>, vector<16xi32>)  : i32 {
        %sub3A = arith.subi %scan3A_289, %scan3A_288 : vector<16xi32>
        %shift_right_arithmetic3A = arith.constant 1 : i32
        %shift_right_arithmetic3A_290 = vector.broadcast %shift_right_arithmetic3A : i32 to vector<16xi32>
        %shift_right_arithmetic3A_291 = arith.shrsi %sub3A, %shift_right_arithmetic3A_290 : vector<16xi32>
        %add3A_292 = arith.addi %scan3A_288, %shift_right_arithmetic3A_291 : vector<16xi32>
        %broadcast_in_dim3A_293 = arith.constant 0 : i32
        %broadcast_in_dim3A_294 = vector.broadcast %broadcast_in_dim3A_293 : i32 to vector<16xi32>
        %scan3A_295 = arith.constant 0 : i32
        %scan3A_296 = arith.constant 1024 : i32
        %scan3A_297 = arith.addi %scan3A_295, %scan3A_296 : i32
        %scan3A_298 = arith.constant 1 : i32
        %scan3A_299 = scf.for %scan3A_304 = %scan3A_295 to %scan3A_297 step %scan3A_298 iter_args(%scan3A_305 = %broadcast_in_dim3A_294) -> (vector<16xi32>)  : i32 {
          %mul3A_306 = arith.constant 16 : i32
          %mul3A_307 = arith.muli %scan3A_304, %mul3A_306 : i32
          %get3A = arith.index_cast %mul3A_307 : i32 to index
          %get3A_308 = tpu.vector_load %run_scoped3A[%get3A] {strides = array<i32>} : memref<16384xf32, #tpu.memory_space<vmem>>, vector<16xf32>,
          %get3A_309 = vector.shape_cast %get3A_308 : vector<16xf32> to vector<16xf32>
          %bitcast_convert_type3A = tpu.bitcast %get3A_309 : vector<16xf32> -> vector<16xi32>
          %ge3A_310 = arith.cmpi sge, %bitcast_convert_type3A, %add3A_292 : vector<16xi32>
          %jit3A = arith.constant 1 : i32
          %jit3A_311 = arith.constant 0 : i32
          %broadcast_in_dim3A_312 = vector.broadcast %jit3A : i32 to vector<16xi32>
          %broadcast_in_dim3A_313 = vector.broadcast %jit3A_311 : i32 to vector<16xi32>
          %select_n3A_314 = arith.select %ge3A_310, %broadcast_in_dim3A_312, %broadcast_in_dim3A_313 : vector<16xi1>, vector<16xi32>
          %add3A_315 = arith.addi %scan3A_305, %select_n3A_314 : vector<16xi32>
          scf.yield %add3A_315 : vector<16xi32>
        }
        %scan3A_300 = arith.constant 1024 : i32
        %ge3A = arith.constant 64 : i32
        %ge3A_301 = vector.broadcast %ge3A : i32 to vector<16xi32>
        %ge3A_302 = arith.cmpi sge, %scan3A_299, %ge3A_301 : vector<16xi32>
        %select_n3A = arith.select %ge3A_302, %add3A_292, %scan3A_288 : vector<16xi1>, vector<16xi32>
        %select_n3A_303 = arith.select %ge3A_302, %scan3A_289, %add3A_292 : vector<16xi1>, vector<16xi32>
        scf.yield %select_n3A, %select_n3A_303 : vector<16xi32>, vector<16xi32>
      }
      %scan3A_210 = arith.constant 31 : i32
      %swap3A_211 = arith.constant 0 : index
      %swap3A_212 = tpu.vector_load %run_scoped3A_1[%swap3A_211] {strides = array<i32>} : memref<16xi32, #tpu.memory_space<vmem>>, vector<16xi32>,
      %swap3A_213 = vector.shape_cast %swap3A_212 : vector<16xi32> to vector<16xi32>
      %swap3A_214 = vector.shape_cast %scan3A_209#0 : vector<16xi32> to vector<16xi32>
      tpu.vector_store %run_scoped3A_1[%swap3A_211], %swap3A_214 {strides = array<i32>} : memref<16xi32, #tpu.memory_space<vmem>>, vector<16xi32>,
      "tpu.region"() ({
        %run_scoped3A_287 = tpu.sem_alloc : memref<!tpu.dma_semaphore, #tpu.memory_space<semaphore_mem>>
        %dma_start3A = arith.constant 0 : i32
        %dma_start3A_288 = tpu.memref_slice %arg3[%add3A_200, %dma_start3A] : memref<512x16xi32, #tpu.memory_space<hbm>> -> memref<1x16xi32, #tpu.memory_space<hbm>>
        %dma_start3A_289 = tpu.memref_squeeze %dma_start3A_288 : memref<1x16xi32, #tpu.memory_space<hbm>> -> memref<16xi32, #tpu.memory_space<hbm>>
        %dma_start3A_290 = arith.constant 0 : i32
        %dma_start3A_291 = tpu.memref_slice %arg3[%add3A_200, %dma_start3A_290] : memref<512x16xi32, #tpu.memory_space<hbm>> -> memref<1x16xi32, #tpu.memory_space<hbm>>
        %dma_start3A_292 = tpu.memref_squeeze %dma_start3A_291 : memref<1x16xi32, #tpu.memory_space<hbm>> -> memref<16xi32, #tpu.memory_space<hbm>>
        tpu.enqueue_dma source(%run_scoped3A_1 : memref<16xi32, #tpu.memory_space<vmem>>) target(%dma_start3A_292 : memref<16xi32, #tpu.memory_space<hbm>>) target_semaphore(%run_scoped3A_287 : memref<!tpu.dma_semaphore, #tpu.memory_space<semaphore_mem>>)
        %dma_wait3A = arith.constant 0 : i32
        %dma_wait3A_293 = tpu.memref_slice %arg3[%add3A_200, %dma_wait3A] : memref<512x16xi32, #tpu.memory_space<hbm>> -> memref<1x16xi32, #tpu.memory_space<hbm>>
        %dma_wait3A_294 = tpu.memref_squeeze %dma_wait3A_293 : memref<1x16xi32, #tpu.memory_space<hbm>> -> memref<16xi32, #tpu.memory_space<hbm>>
        %dma_wait3A_295 = arith.constant 0 : i32
        %dma_wait3A_296 = tpu.memref_slice %arg3[%add3A_200, %dma_wait3A_295] : memref<512x16xi32, #tpu.memory_space<hbm>> -> memref<1x16xi32, #tpu.memory_space<hbm>>
        %dma_wait3A_297 = tpu.memref_squeeze %dma_wait3A_296 : memref<1x16xi32, #tpu.memory_space<hbm>> -> memref<16xi32, #tpu.memory_space<hbm>>
        tpu.wait_dma2 semaphore(%run_scoped3A_287 : memref<!tpu.dma_semaphore, #tpu.memory_space<semaphore_mem>>) src(%run_scoped3A_1 : memref<16xi32, #tpu.memory_space<vmem>>) dst(%dma_wait3A_297 : memref<16xi32, #tpu.memory_space<hbm>>)
        tpu.yield
      }) : () -> ()
      %mul3A_215 = arith.constant 16 : i32
      %mul3A_216 = arith.muli %add3A, %mul3A_215 : i32
      %add3A_217 = arith.constant 12 : i32
      %add3A_218 = arith.addi %mul3A_216, %add3A_217 : i32
      "tpu.region"() ({
        %run_scoped3A_287 = tpu.sem_alloc : memref<!tpu.dma_semaphore, #tpu.memory_space<semaphore_mem>>
        %dma_start3A = arith.constant 0 : i32
        %dma_start3A_288 = tpu.memref_slice %arg2[%add3A_218, %dma_start3A] : memref<512x16384xf32, #tpu.memory_space<hbm>> -> memref<1x16384xf32, #tpu.memory_space<hbm>>
        %dma_start3A_289 = tpu.memref_squeeze %dma_start3A_288 : memref<1x16384xf32, #tpu.memory_space<hbm>> -> memref<16384xf32, #tpu.memory_space<hbm>>
        %dma_start3A_290 = arith.constant 0 : i32
        %dma_start3A_291 = tpu.memref_slice %arg2[%add3A_218, %dma_start3A_290] : memref<512x16384xf32, #tpu.memory_space<hbm>> -> memref<1x16384xf32, #tpu.memory_space<hbm>>
        %dma_start3A_292 = tpu.memref_squeeze %dma_start3A_291 : memref<1x16384xf32, #tpu.memory_space<hbm>> -> memref<16384xf32, #tpu.memory_space<hbm>>
        tpu.enqueue_dma source(%dma_start3A_292 : memref<16384xf32, #tpu.memory_space<hbm>>) target(%run_scoped3A : memref<16384xf32, #tpu.memory_space<vmem>>) target_semaphore(%run_scoped3A_287 : memref<!tpu.dma_semaphore, #tpu.memory_space<semaphore_mem>>)
        %dma_wait3A = arith.constant 0 : i32
        %dma_wait3A_293 = tpu.memref_slice %arg2[%add3A_218, %dma_wait3A] : memref<512x16384xf32, #tpu.memory_space<hbm>> -> memref<1x16384xf32, #tpu.memory_space<hbm>>
        %dma_wait3A_294 = tpu.memref_squeeze %dma_wait3A_293 : memref<1x16384xf32, #tpu.memory_space<hbm>> -> memref<16384xf32, #tpu.memory_space<hbm>>
        %dma_wait3A_295 = arith.constant 0 : i32
        %dma_wait3A_296 = tpu.memref_slice %arg2[%add3A_218, %dma_wait3A_295] : memref<512x16384xf32, #tpu.memory_space<hbm>> -> memref<1x16384xf32, #tpu.memory_space<hbm>>
        %dma_wait3A_297 = tpu.memref_squeeze %dma_wait3A_296 : memref<1x16384xf32, #tpu.memory_space<hbm>> -> memref<16384xf32, #tpu.memory_space<hbm>>
        tpu.wait_dma2 semaphore(%run_scoped3A_287 : memref<!tpu.dma_semaphore, #tpu.memory_space<semaphore_mem>>) src(%dma_wait3A_297 : memref<16384xf32, #tpu.memory_space<hbm>>) dst(%run_scoped3A : memref<16384xf32, #tpu.memory_space<vmem>>)
        tpu.yield
      }) : () -> ()
      %broadcast_in_dim3A_219 = arith.constant 0 : i32
      %broadcast_in_dim3A_220 = vector.broadcast %broadcast_in_dim3A_219 : i32 to vector<16xi32>
      %broadcast_in_dim3A_221 = arith.constant 2139095040 : i32
      %broadcast_in_dim3A_222 = vector.broadcast %broadcast_in_dim3A_221 : i32 to vector<16xi32>
      %scan3A_223 = arith.constant 0 : i32
      %scan3A_224 = arith.constant 31 : i32
      %scan3A_225 = arith.addi %scan3A_223, %scan3A_224 : i32
      %scan3A_226 = arith.constant 1 : i32
      %scan3A_227:2 = scf.for %scan3A_287 = %scan3A_223 to %scan3A_225 step %scan3A_226 iter_args(%scan3A_288 = %broadcast_in_dim3A_220, %scan3A_289 = %broadcast_in_dim3A_222) -> (vector<16xi32>, vector<16xi32>)  : i32 {
        %sub3A = arith.subi %scan3A_289, %scan3A_288 : vector<16xi32>
        %shift_right_arithmetic3A = arith.constant 1 : i32
        %shift_right_arithmetic3A_290 = vector.broadcast %shift_right_arithmetic3A : i32 to vector<16xi32>
        %shift_right_arithmetic3A_291 = arith.shrsi %sub3A, %shift_right_arithmetic3A_290 : vector<16xi32>
        %add3A_292 = arith.addi %scan3A_288, %shift_right_arithmetic3A_291 : vector<16xi32>
        %broadcast_in_dim3A_293 = arith.constant 0 : i32
        %broadcast_in_dim3A_294 = vector.broadcast %broadcast_in_dim3A_293 : i32 to vector<16xi32>
        %scan3A_295 = arith.constant 0 : i32
        %scan3A_296 = arith.constant 1024 : i32
        %scan3A_297 = arith.addi %scan3A_295, %scan3A_296 : i32
        %scan3A_298 = arith.constant 1 : i32
        %scan3A_299 = scf.for %scan3A_304 = %scan3A_295 to %scan3A_297 step %scan3A_298 iter_args(%scan3A_305 = %broadcast_in_dim3A_294) -> (vector<16xi32>)  : i32 {
          %mul3A_306 = arith.constant 16 : i32
          %mul3A_307 = arith.muli %scan3A_304, %mul3A_306 : i32
          %get3A = arith.index_cast %mul3A_307 : i32 to index
          %get3A_308 = tpu.vector_load %run_scoped3A[%get3A] {strides = array<i32>} : memref<16384xf32, #tpu.memory_space<vmem>>, vector<16xf32>,
          %get3A_309 = vector.shape_cast %get3A_308 : vector<16xf32> to vector<16xf32>
          %bitcast_convert_type3A = tpu.bitcast %get3A_309 : vector<16xf32> -> vector<16xi32>
          %ge3A_310 = arith.cmpi sge, %bitcast_convert_type3A, %add3A_292 : vector<16xi32>
          %jit3A = arith.constant 1 : i32
          %jit3A_311 = arith.constant 0 : i32
          %broadcast_in_dim3A_312 = vector.broadcast %jit3A : i32 to vector<16xi32>
          %broadcast_in_dim3A_313 = vector.broadcast %jit3A_311 : i32 to vector<16xi32>
          %select_n3A_314 = arith.select %ge3A_310, %broadcast_in_dim3A_312, %broadcast_in_dim3A_313 : vector<16xi1>, vector<16xi32>
          %add3A_315 = arith.addi %scan3A_305, %select_n3A_314 : vector<16xi32>
          scf.yield %add3A_315 : vector<16xi32>
        }
        %scan3A_300 = arith.constant 1024 : i32
        %ge3A = arith.constant 64 : i32
        %ge3A_301 = vector.broadcast %ge3A : i32 to vector<16xi32>
        %ge3A_302 = arith.cmpi sge, %scan3A_299, %ge3A_301 : vector<16xi32>
        %select_n3A = arith.select %ge3A_302, %add3A_292, %scan3A_288 : vector<16xi1>, vector<16xi32>
        %select_n3A_303 = arith.select %ge3A_302, %scan3A_289, %add3A_292 : vector<16xi1>, vector<16xi32>
        scf.yield %select_n3A, %select_n3A_303 : vector<16xi32>, vector<16xi32>
      }
      %scan3A_228 = arith.constant 31 : i32
      %swap3A_229 = arith.constant 0 : index
      %swap3A_230 = tpu.vector_load %run_scoped3A_1[%swap3A_229] {strides = array<i32>} : memref<16xi32, #tpu.memory_space<vmem>>, vector<16xi32>,
      %swap3A_231 = vector.shape_cast %swap3A_230 : vector<16xi32> to vector<16xi32>
      %swap3A_232 = vector.shape_cast %scan3A_227#0 : vector<16xi32> to vector<16xi32>
      tpu.vector_store %run_scoped3A_1[%swap3A_229], %swap3A_232 {strides = array<i32>} : memref<16xi32, #tpu.memory_space<vmem>>, vector<16xi32>,
      "tpu.region"() ({
        %run_scoped3A_287 = tpu.sem_alloc : memref<!tpu.dma_semaphore, #tpu.memory_space<semaphore_mem>>
        %dma_start3A = arith.constant 0 : i32
        %dma_start3A_288 = tpu.memref_slice %arg3[%add3A_218, %dma_start3A] : memref<512x16xi32, #tpu.memory_space<hbm>> -> memref<1x16xi32, #tpu.memory_space<hbm>>
        %dma_start3A_289 = tpu.memref_squeeze %dma_start3A_288 : memref<1x16xi32, #tpu.memory_space<hbm>> -> memref<16xi32, #tpu.memory_space<hbm>>
        %dma_start3A_290 = arith.constant 0 : i32
        %dma_start3A_291 = tpu.memref_slice %arg3[%add3A_218, %dma_start3A_290] : memref<512x16xi32, #tpu.memory_space<hbm>> -> memref<1x16xi32, #tpu.memory_space<hbm>>
        %dma_start3A_292 = tpu.memref_squeeze %dma_start3A_291 : memref<1x16xi32, #tpu.memory_space<hbm>> -> memref<16xi32, #tpu.memory_space<hbm>>
        tpu.enqueue_dma source(%run_scoped3A_1 : memref<16xi32, #tpu.memory_space<vmem>>) target(%dma_start3A_292 : memref<16xi32, #tpu.memory_space<hbm>>) target_semaphore(%run_scoped3A_287 : memref<!tpu.dma_semaphore, #tpu.memory_space<semaphore_mem>>)
        %dma_wait3A = arith.constant 0 : i32
        %dma_wait3A_293 = tpu.memref_slice %arg3[%add3A_218, %dma_wait3A] : memref<512x16xi32, #tpu.memory_space<hbm>> -> memref<1x16xi32, #tpu.memory_space<hbm>>
        %dma_wait3A_294 = tpu.memref_squeeze %dma_wait3A_293 : memref<1x16xi32, #tpu.memory_space<hbm>> -> memref<16xi32, #tpu.memory_space<hbm>>
        %dma_wait3A_295 = arith.constant 0 : i32
        %dma_wait3A_296 = tpu.memref_slice %arg3[%add3A_218, %dma_wait3A_295] : memref<512x16xi32, #tpu.memory_space<hbm>> -> memref<1x16xi32, #tpu.memory_space<hbm>>
        %dma_wait3A_297 = tpu.memref_squeeze %dma_wait3A_296 : memref<1x16xi32, #tpu.memory_space<hbm>> -> memref<16xi32, #tpu.memory_space<hbm>>
        tpu.wait_dma2 semaphore(%run_scoped3A_287 : memref<!tpu.dma_semaphore, #tpu.memory_space<semaphore_mem>>) src(%run_scoped3A_1 : memref<16xi32, #tpu.memory_space<vmem>>) dst(%dma_wait3A_297 : memref<16xi32, #tpu.memory_space<hbm>>)
        tpu.yield
      }) : () -> ()
      %mul3A_233 = arith.constant 16 : i32
      %mul3A_234 = arith.muli %add3A, %mul3A_233 : i32
      %add3A_235 = arith.constant 13 : i32
      %add3A_236 = arith.addi %mul3A_234, %add3A_235 : i32
      "tpu.region"() ({
        %run_scoped3A_287 = tpu.sem_alloc : memref<!tpu.dma_semaphore, #tpu.memory_space<semaphore_mem>>
        %dma_start3A = arith.constant 0 : i32
        %dma_start3A_288 = tpu.memref_slice %arg2[%add3A_236, %dma_start3A] : memref<512x16384xf32, #tpu.memory_space<hbm>> -> memref<1x16384xf32, #tpu.memory_space<hbm>>
        %dma_start3A_289 = tpu.memref_squeeze %dma_start3A_288 : memref<1x16384xf32, #tpu.memory_space<hbm>> -> memref<16384xf32, #tpu.memory_space<hbm>>
        %dma_start3A_290 = arith.constant 0 : i32
        %dma_start3A_291 = tpu.memref_slice %arg2[%add3A_236, %dma_start3A_290] : memref<512x16384xf32, #tpu.memory_space<hbm>> -> memref<1x16384xf32, #tpu.memory_space<hbm>>
        %dma_start3A_292 = tpu.memref_squeeze %dma_start3A_291 : memref<1x16384xf32, #tpu.memory_space<hbm>> -> memref<16384xf32, #tpu.memory_space<hbm>>
        tpu.enqueue_dma source(%dma_start3A_292 : memref<16384xf32, #tpu.memory_space<hbm>>) target(%run_scoped3A : memref<16384xf32, #tpu.memory_space<vmem>>) target_semaphore(%run_scoped3A_287 : memref<!tpu.dma_semaphore, #tpu.memory_space<semaphore_mem>>)
        %dma_wait3A = arith.constant 0 : i32
        %dma_wait3A_293 = tpu.memref_slice %arg2[%add3A_236, %dma_wait3A] : memref<512x16384xf32, #tpu.memory_space<hbm>> -> memref<1x16384xf32, #tpu.memory_space<hbm>>
        %dma_wait3A_294 = tpu.memref_squeeze %dma_wait3A_293 : memref<1x16384xf32, #tpu.memory_space<hbm>> -> memref<16384xf32, #tpu.memory_space<hbm>>
        %dma_wait3A_295 = arith.constant 0 : i32
        %dma_wait3A_296 = tpu.memref_slice %arg2[%add3A_236, %dma_wait3A_295] : memref<512x16384xf32, #tpu.memory_space<hbm>> -> memref<1x16384xf32, #tpu.memory_space<hbm>>
        %dma_wait3A_297 = tpu.memref_squeeze %dma_wait3A_296 : memref<1x16384xf32, #tpu.memory_space<hbm>> -> memref<16384xf32, #tpu.memory_space<hbm>>
        tpu.wait_dma2 semaphore(%run_scoped3A_287 : memref<!tpu.dma_semaphore, #tpu.memory_space<semaphore_mem>>) src(%dma_wait3A_297 : memref<16384xf32, #tpu.memory_space<hbm>>) dst(%run_scoped3A : memref<16384xf32, #tpu.memory_space<vmem>>)
        tpu.yield
      }) : () -> ()
      %broadcast_in_dim3A_237 = arith.constant 0 : i32
      %broadcast_in_dim3A_238 = vector.broadcast %broadcast_in_dim3A_237 : i32 to vector<16xi32>
      %broadcast_in_dim3A_239 = arith.constant 2139095040 : i32
      %broadcast_in_dim3A_240 = vector.broadcast %broadcast_in_dim3A_239 : i32 to vector<16xi32>
      %scan3A_241 = arith.constant 0 : i32
      %scan3A_242 = arith.constant 31 : i32
      %scan3A_243 = arith.addi %scan3A_241, %scan3A_242 : i32
      %scan3A_244 = arith.constant 1 : i32
      %scan3A_245:2 = scf.for %scan3A_287 = %scan3A_241 to %scan3A_243 step %scan3A_244 iter_args(%scan3A_288 = %broadcast_in_dim3A_238, %scan3A_289 = %broadcast_in_dim3A_240) -> (vector<16xi32>, vector<16xi32>)  : i32 {
        %sub3A = arith.subi %scan3A_289, %scan3A_288 : vector<16xi32>
        %shift_right_arithmetic3A = arith.constant 1 : i32
        %shift_right_arithmetic3A_290 = vector.broadcast %shift_right_arithmetic3A : i32 to vector<16xi32>
        %shift_right_arithmetic3A_291 = arith.shrsi %sub3A, %shift_right_arithmetic3A_290 : vector<16xi32>
        %add3A_292 = arith.addi %scan3A_288, %shift_right_arithmetic3A_291 : vector<16xi32>
        %broadcast_in_dim3A_293 = arith.constant 0 : i32
        %broadcast_in_dim3A_294 = vector.broadcast %broadcast_in_dim3A_293 : i32 to vector<16xi32>
        %scan3A_295 = arith.constant 0 : i32
        %scan3A_296 = arith.constant 1024 : i32
        %scan3A_297 = arith.addi %scan3A_295, %scan3A_296 : i32
        %scan3A_298 = arith.constant 1 : i32
        %scan3A_299 = scf.for %scan3A_304 = %scan3A_295 to %scan3A_297 step %scan3A_298 iter_args(%scan3A_305 = %broadcast_in_dim3A_294) -> (vector<16xi32>)  : i32 {
          %mul3A_306 = arith.constant 16 : i32
          %mul3A_307 = arith.muli %scan3A_304, %mul3A_306 : i32
          %get3A = arith.index_cast %mul3A_307 : i32 to index
          %get3A_308 = tpu.vector_load %run_scoped3A[%get3A] {strides = array<i32>} : memref<16384xf32, #tpu.memory_space<vmem>>, vector<16xf32>,
          %get3A_309 = vector.shape_cast %get3A_308 : vector<16xf32> to vector<16xf32>
          %bitcast_convert_type3A = tpu.bitcast %get3A_309 : vector<16xf32> -> vector<16xi32>
          %ge3A_310 = arith.cmpi sge, %bitcast_convert_type3A, %add3A_292 : vector<16xi32>
          %jit3A = arith.constant 1 : i32
          %jit3A_311 = arith.constant 0 : i32
          %broadcast_in_dim3A_312 = vector.broadcast %jit3A : i32 to vector<16xi32>
          %broadcast_in_dim3A_313 = vector.broadcast %jit3A_311 : i32 to vector<16xi32>
          %select_n3A_314 = arith.select %ge3A_310, %broadcast_in_dim3A_312, %broadcast_in_dim3A_313 : vector<16xi1>, vector<16xi32>
          %add3A_315 = arith.addi %scan3A_305, %select_n3A_314 : vector<16xi32>
          scf.yield %add3A_315 : vector<16xi32>
        }
        %scan3A_300 = arith.constant 1024 : i32
        %ge3A = arith.constant 64 : i32
        %ge3A_301 = vector.broadcast %ge3A : i32 to vector<16xi32>
        %ge3A_302 = arith.cmpi sge, %scan3A_299, %ge3A_301 : vector<16xi32>
        %select_n3A = arith.select %ge3A_302, %add3A_292, %scan3A_288 : vector<16xi1>, vector<16xi32>
        %select_n3A_303 = arith.select %ge3A_302, %scan3A_289, %add3A_292 : vector<16xi1>, vector<16xi32>
        scf.yield %select_n3A, %select_n3A_303 : vector<16xi32>, vector<16xi32>
      }
      %scan3A_246 = arith.constant 31 : i32
      %swap3A_247 = arith.constant 0 : index
      %swap3A_248 = tpu.vector_load %run_scoped3A_1[%swap3A_247] {strides = array<i32>} : memref<16xi32, #tpu.memory_space<vmem>>, vector<16xi32>,
      %swap3A_249 = vector.shape_cast %swap3A_248 : vector<16xi32> to vector<16xi32>
      %swap3A_250 = vector.shape_cast %scan3A_245#0 : vector<16xi32> to vector<16xi32>
      tpu.vector_store %run_scoped3A_1[%swap3A_247], %swap3A_250 {strides = array<i32>} : memref<16xi32, #tpu.memory_space<vmem>>, vector<16xi32>,
      "tpu.region"() ({
        %run_scoped3A_287 = tpu.sem_alloc : memref<!tpu.dma_semaphore, #tpu.memory_space<semaphore_mem>>
        %dma_start3A = arith.constant 0 : i32
        %dma_start3A_288 = tpu.memref_slice %arg3[%add3A_236, %dma_start3A] : memref<512x16xi32, #tpu.memory_space<hbm>> -> memref<1x16xi32, #tpu.memory_space<hbm>>
        %dma_start3A_289 = tpu.memref_squeeze %dma_start3A_288 : memref<1x16xi32, #tpu.memory_space<hbm>> -> memref<16xi32, #tpu.memory_space<hbm>>
        %dma_start3A_290 = arith.constant 0 : i32
        %dma_start3A_291 = tpu.memref_slice %arg3[%add3A_236, %dma_start3A_290] : memref<512x16xi32, #tpu.memory_space<hbm>> -> memref<1x16xi32, #tpu.memory_space<hbm>>
        %dma_start3A_292 = tpu.memref_squeeze %dma_start3A_291 : memref<1x16xi32, #tpu.memory_space<hbm>> -> memref<16xi32, #tpu.memory_space<hbm>>
        tpu.enqueue_dma source(%run_scoped3A_1 : memref<16xi32, #tpu.memory_space<vmem>>) target(%dma_start3A_292 : memref<16xi32, #tpu.memory_space<hbm>>) target_semaphore(%run_scoped3A_287 : memref<!tpu.dma_semaphore, #tpu.memory_space<semaphore_mem>>)
        %dma_wait3A = arith.constant 0 : i32
        %dma_wait3A_293 = tpu.memref_slice %arg3[%add3A_236, %dma_wait3A] : memref<512x16xi32, #tpu.memory_space<hbm>> -> memref<1x16xi32, #tpu.memory_space<hbm>>
        %dma_wait3A_294 = tpu.memref_squeeze %dma_wait3A_293 : memref<1x16xi32, #tpu.memory_space<hbm>> -> memref<16xi32, #tpu.memory_space<hbm>>
        %dma_wait3A_295 = arith.constant 0 : i32
        %dma_wait3A_296 = tpu.memref_slice %arg3[%add3A_236, %dma_wait3A_295] : memref<512x16xi32, #tpu.memory_space<hbm>> -> memref<1x16xi32, #tpu.memory_space<hbm>>
        %dma_wait3A_297 = tpu.memref_squeeze %dma_wait3A_296 : memref<1x16xi32, #tpu.memory_space<hbm>> -> memref<16xi32, #tpu.memory_space<hbm>>
        tpu.wait_dma2 semaphore(%run_scoped3A_287 : memref<!tpu.dma_semaphore, #tpu.memory_space<semaphore_mem>>) src(%run_scoped3A_1 : memref<16xi32, #tpu.memory_space<vmem>>) dst(%dma_wait3A_297 : memref<16xi32, #tpu.memory_space<hbm>>)
        tpu.yield
      }) : () -> ()
      %mul3A_251 = arith.constant 16 : i32
      %mul3A_252 = arith.muli %add3A, %mul3A_251 : i32
      %add3A_253 = arith.constant 14 : i32
      %add3A_254 = arith.addi %mul3A_252, %add3A_253 : i32
      "tpu.region"() ({
        %run_scoped3A_287 = tpu.sem_alloc : memref<!tpu.dma_semaphore, #tpu.memory_space<semaphore_mem>>
        %dma_start3A = arith.constant 0 : i32
        %dma_start3A_288 = tpu.memref_slice %arg2[%add3A_254, %dma_start3A] : memref<512x16384xf32, #tpu.memory_space<hbm>> -> memref<1x16384xf32, #tpu.memory_space<hbm>>
        %dma_start3A_289 = tpu.memref_squeeze %dma_start3A_288 : memref<1x16384xf32, #tpu.memory_space<hbm>> -> memref<16384xf32, #tpu.memory_space<hbm>>
        %dma_start3A_290 = arith.constant 0 : i32
        %dma_start3A_291 = tpu.memref_slice %arg2[%add3A_254, %dma_start3A_290] : memref<512x16384xf32, #tpu.memory_space<hbm>> -> memref<1x16384xf32, #tpu.memory_space<hbm>>
        %dma_start3A_292 = tpu.memref_squeeze %dma_start3A_291 : memref<1x16384xf32, #tpu.memory_space<hbm>> -> memref<16384xf32, #tpu.memory_space<hbm>>
        tpu.enqueue_dma source(%dma_start3A_292 : memref<16384xf32, #tpu.memory_space<hbm>>) target(%run_scoped3A : memref<16384xf32, #tpu.memory_space<vmem>>) target_semaphore(%run_scoped3A_287 : memref<!tpu.dma_semaphore, #tpu.memory_space<semaphore_mem>>)
        %dma_wait3A = arith.constant 0 : i32
        %dma_wait3A_293 = tpu.memref_slice %arg2[%add3A_254, %dma_wait3A] : memref<512x16384xf32, #tpu.memory_space<hbm>> -> memref<1x16384xf32, #tpu.memory_space<hbm>>
        %dma_wait3A_294 = tpu.memref_squeeze %dma_wait3A_293 : memref<1x16384xf32, #tpu.memory_space<hbm>> -> memref<16384xf32, #tpu.memory_space<hbm>>
        %dma_wait3A_295 = arith.constant 0 : i32
        %dma_wait3A_296 = tpu.memref_slice %arg2[%add3A_254, %dma_wait3A_295] : memref<512x16384xf32, #tpu.memory_space<hbm>> -> memref<1x16384xf32, #tpu.memory_space<hbm>>
        %dma_wait3A_297 = tpu.memref_squeeze %dma_wait3A_296 : memref<1x16384xf32, #tpu.memory_space<hbm>> -> memref<16384xf32, #tpu.memory_space<hbm>>
        tpu.wait_dma2 semaphore(%run_scoped3A_287 : memref<!tpu.dma_semaphore, #tpu.memory_space<semaphore_mem>>) src(%dma_wait3A_297 : memref<16384xf32, #tpu.memory_space<hbm>>) dst(%run_scoped3A : memref<16384xf32, #tpu.memory_space<vmem>>)
        tpu.yield
      }) : () -> ()
      %broadcast_in_dim3A_255 = arith.constant 0 : i32
      %broadcast_in_dim3A_256 = vector.broadcast %broadcast_in_dim3A_255 : i32 to vector<16xi32>
      %broadcast_in_dim3A_257 = arith.constant 2139095040 : i32
      %broadcast_in_dim3A_258 = vector.broadcast %broadcast_in_dim3A_257 : i32 to vector<16xi32>
      %scan3A_259 = arith.constant 0 : i32
      %scan3A_260 = arith.constant 31 : i32
      %scan3A_261 = arith.addi %scan3A_259, %scan3A_260 : i32
      %scan3A_262 = arith.constant 1 : i32
      %scan3A_263:2 = scf.for %scan3A_287 = %scan3A_259 to %scan3A_261 step %scan3A_262 iter_args(%scan3A_288 = %broadcast_in_dim3A_256, %scan3A_289 = %broadcast_in_dim3A_258) -> (vector<16xi32>, vector<16xi32>)  : i32 {
        %sub3A = arith.subi %scan3A_289, %scan3A_288 : vector<16xi32>
        %shift_right_arithmetic3A = arith.constant 1 : i32
        %shift_right_arithmetic3A_290 = vector.broadcast %shift_right_arithmetic3A : i32 to vector<16xi32>
        %shift_right_arithmetic3A_291 = arith.shrsi %sub3A, %shift_right_arithmetic3A_290 : vector<16xi32>
        %add3A_292 = arith.addi %scan3A_288, %shift_right_arithmetic3A_291 : vector<16xi32>
        %broadcast_in_dim3A_293 = arith.constant 0 : i32
        %broadcast_in_dim3A_294 = vector.broadcast %broadcast_in_dim3A_293 : i32 to vector<16xi32>
        %scan3A_295 = arith.constant 0 : i32
        %scan3A_296 = arith.constant 1024 : i32
        %scan3A_297 = arith.addi %scan3A_295, %scan3A_296 : i32
        %scan3A_298 = arith.constant 1 : i32
        %scan3A_299 = scf.for %scan3A_304 = %scan3A_295 to %scan3A_297 step %scan3A_298 iter_args(%scan3A_305 = %broadcast_in_dim3A_294) -> (vector<16xi32>)  : i32 {
          %mul3A_306 = arith.constant 16 : i32
          %mul3A_307 = arith.muli %scan3A_304, %mul3A_306 : i32
          %get3A = arith.index_cast %mul3A_307 : i32 to index
          %get3A_308 = tpu.vector_load %run_scoped3A[%get3A] {strides = array<i32>} : memref<16384xf32, #tpu.memory_space<vmem>>, vector<16xf32>,
          %get3A_309 = vector.shape_cast %get3A_308 : vector<16xf32> to vector<16xf32>
          %bitcast_convert_type3A = tpu.bitcast %get3A_309 : vector<16xf32> -> vector<16xi32>
          %ge3A_310 = arith.cmpi sge, %bitcast_convert_type3A, %add3A_292 : vector<16xi32>
          %jit3A = arith.constant 1 : i32
          %jit3A_311 = arith.constant 0 : i32
          %broadcast_in_dim3A_312 = vector.broadcast %jit3A : i32 to vector<16xi32>
          %broadcast_in_dim3A_313 = vector.broadcast %jit3A_311 : i32 to vector<16xi32>
          %select_n3A_314 = arith.select %ge3A_310, %broadcast_in_dim3A_312, %broadcast_in_dim3A_313 : vector<16xi1>, vector<16xi32>
          %add3A_315 = arith.addi %scan3A_305, %select_n3A_314 : vector<16xi32>
          scf.yield %add3A_315 : vector<16xi32>
        }
        %scan3A_300 = arith.constant 1024 : i32
        %ge3A = arith.constant 64 : i32
        %ge3A_301 = vector.broadcast %ge3A : i32 to vector<16xi32>
        %ge3A_302 = arith.cmpi sge, %scan3A_299, %ge3A_301 : vector<16xi32>
        %select_n3A = arith.select %ge3A_302, %add3A_292, %scan3A_288 : vector<16xi1>, vector<16xi32>
        %select_n3A_303 = arith.select %ge3A_302, %scan3A_289, %add3A_292 : vector<16xi1>, vector<16xi32>
        scf.yield %select_n3A, %select_n3A_303 : vector<16xi32>, vector<16xi32>
      }
      %scan3A_264 = arith.constant 31 : i32
      %swap3A_265 = arith.constant 0 : index
      %swap3A_266 = tpu.vector_load %run_scoped3A_1[%swap3A_265] {strides = array<i32>} : memref<16xi32, #tpu.memory_space<vmem>>, vector<16xi32>,
      %swap3A_267 = vector.shape_cast %swap3A_266 : vector<16xi32> to vector<16xi32>
      %swap3A_268 = vector.shape_cast %scan3A_263#0 : vector<16xi32> to vector<16xi32>
      tpu.vector_store %run_scoped3A_1[%swap3A_265], %swap3A_268 {strides = array<i32>} : memref<16xi32, #tpu.memory_space<vmem>>, vector<16xi32>,
      "tpu.region"() ({
        %run_scoped3A_287 = tpu.sem_alloc : memref<!tpu.dma_semaphore, #tpu.memory_space<semaphore_mem>>
        %dma_start3A = arith.constant 0 : i32
        %dma_start3A_288 = tpu.memref_slice %arg3[%add3A_254, %dma_start3A] : memref<512x16xi32, #tpu.memory_space<hbm>> -> memref<1x16xi32, #tpu.memory_space<hbm>>
        %dma_start3A_289 = tpu.memref_squeeze %dma_start3A_288 : memref<1x16xi32, #tpu.memory_space<hbm>> -> memref<16xi32, #tpu.memory_space<hbm>>
        %dma_start3A_290 = arith.constant 0 : i32
        %dma_start3A_291 = tpu.memref_slice %arg3[%add3A_254, %dma_start3A_290] : memref<512x16xi32, #tpu.memory_space<hbm>> -> memref<1x16xi32, #tpu.memory_space<hbm>>
        %dma_start3A_292 = tpu.memref_squeeze %dma_start3A_291 : memref<1x16xi32, #tpu.memory_space<hbm>> -> memref<16xi32, #tpu.memory_space<hbm>>
        tpu.enqueue_dma source(%run_scoped3A_1 : memref<16xi32, #tpu.memory_space<vmem>>) target(%dma_start3A_292 : memref<16xi32, #tpu.memory_space<hbm>>) target_semaphore(%run_scoped3A_287 : memref<!tpu.dma_semaphore, #tpu.memory_space<semaphore_mem>>)
        %dma_wait3A = arith.constant 0 : i32
        %dma_wait3A_293 = tpu.memref_slice %arg3[%add3A_254, %dma_wait3A] : memref<512x16xi32, #tpu.memory_space<hbm>> -> memref<1x16xi32, #tpu.memory_space<hbm>>
        %dma_wait3A_294 = tpu.memref_squeeze %dma_wait3A_293 : memref<1x16xi32, #tpu.memory_space<hbm>> -> memref<16xi32, #tpu.memory_space<hbm>>
        %dma_wait3A_295 = arith.constant 0 : i32
        %dma_wait3A_296 = tpu.memref_slice %arg3[%add3A_254, %dma_wait3A_295] : memref<512x16xi32, #tpu.memory_space<hbm>> -> memref<1x16xi32, #tpu.memory_space<hbm>>
        %dma_wait3A_297 = tpu.memref_squeeze %dma_wait3A_296 : memref<1x16xi32, #tpu.memory_space<hbm>> -> memref<16xi32, #tpu.memory_space<hbm>>
        tpu.wait_dma2 semaphore(%run_scoped3A_287 : memref<!tpu.dma_semaphore, #tpu.memory_space<semaphore_mem>>) src(%run_scoped3A_1 : memref<16xi32, #tpu.memory_space<vmem>>) dst(%dma_wait3A_297 : memref<16xi32, #tpu.memory_space<hbm>>)
        tpu.yield
      }) : () -> ()
      %mul3A_269 = arith.constant 16 : i32
      %mul3A_270 = arith.muli %add3A, %mul3A_269 : i32
      %add3A_271 = arith.constant 15 : i32
      %add3A_272 = arith.addi %mul3A_270, %add3A_271 : i32
      "tpu.region"() ({
        %run_scoped3A_287 = tpu.sem_alloc : memref<!tpu.dma_semaphore, #tpu.memory_space<semaphore_mem>>
        %dma_start3A = arith.constant 0 : i32
        %dma_start3A_288 = tpu.memref_slice %arg2[%add3A_272, %dma_start3A] : memref<512x16384xf32, #tpu.memory_space<hbm>> -> memref<1x16384xf32, #tpu.memory_space<hbm>>
        %dma_start3A_289 = tpu.memref_squeeze %dma_start3A_288 : memref<1x16384xf32, #tpu.memory_space<hbm>> -> memref<16384xf32, #tpu.memory_space<hbm>>
        %dma_start3A_290 = arith.constant 0 : i32
        %dma_start3A_291 = tpu.memref_slice %arg2[%add3A_272, %dma_start3A_290] : memref<512x16384xf32, #tpu.memory_space<hbm>> -> memref<1x16384xf32, #tpu.memory_space<hbm>>
        %dma_start3A_292 = tpu.memref_squeeze %dma_start3A_291 : memref<1x16384xf32, #tpu.memory_space<hbm>> -> memref<16384xf32, #tpu.memory_space<hbm>>
        tpu.enqueue_dma source(%dma_start3A_292 : memref<16384xf32, #tpu.memory_space<hbm>>) target(%run_scoped3A : memref<16384xf32, #tpu.memory_space<vmem>>) target_semaphore(%run_scoped3A_287 : memref<!tpu.dma_semaphore, #tpu.memory_space<semaphore_mem>>)
        %dma_wait3A = arith.constant 0 : i32
        %dma_wait3A_293 = tpu.memref_slice %arg2[%add3A_272, %dma_wait3A] : memref<512x16384xf32, #tpu.memory_space<hbm>> -> memref<1x16384xf32, #tpu.memory_space<hbm>>
        %dma_wait3A_294 = tpu.memref_squeeze %dma_wait3A_293 : memref<1x16384xf32, #tpu.memory_space<hbm>> -> memref<16384xf32, #tpu.memory_space<hbm>>
        %dma_wait3A_295 = arith.constant 0 : i32
        %dma_wait3A_296 = tpu.memref_slice %arg2[%add3A_272, %dma_wait3A_295] : memref<512x16384xf32, #tpu.memory_space<hbm>> -> memref<1x16384xf32, #tpu.memory_space<hbm>>
        %dma_wait3A_297 = tpu.memref_squeeze %dma_wait3A_296 : memref<1x16384xf32, #tpu.memory_space<hbm>> -> memref<16384xf32, #tpu.memory_space<hbm>>
        tpu.wait_dma2 semaphore(%run_scoped3A_287 : memref<!tpu.dma_semaphore, #tpu.memory_space<semaphore_mem>>) src(%dma_wait3A_297 : memref<16384xf32, #tpu.memory_space<hbm>>) dst(%run_scoped3A : memref<16384xf32, #tpu.memory_space<vmem>>)
        tpu.yield
      }) : () -> ()
      %broadcast_in_dim3A_273 = arith.constant 0 : i32
      %broadcast_in_dim3A_274 = vector.broadcast %broadcast_in_dim3A_273 : i32 to vector<16xi32>
      %broadcast_in_dim3A_275 = arith.constant 2139095040 : i32
      %broadcast_in_dim3A_276 = vector.broadcast %broadcast_in_dim3A_275 : i32 to vector<16xi32>
      %scan3A_277 = arith.constant 0 : i32
      %scan3A_278 = arith.constant 31 : i32
      %scan3A_279 = arith.addi %scan3A_277, %scan3A_278 : i32
      %scan3A_280 = arith.constant 1 : i32
      %scan3A_281:2 = scf.for %scan3A_287 = %scan3A_277 to %scan3A_279 step %scan3A_280 iter_args(%scan3A_288 = %broadcast_in_dim3A_274, %scan3A_289 = %broadcast_in_dim3A_276) -> (vector<16xi32>, vector<16xi32>)  : i32 {
        %sub3A = arith.subi %scan3A_289, %scan3A_288 : vector<16xi32>
        %shift_right_arithmetic3A = arith.constant 1 : i32
        %shift_right_arithmetic3A_290 = vector.broadcast %shift_right_arithmetic3A : i32 to vector<16xi32>
        %shift_right_arithmetic3A_291 = arith.shrsi %sub3A, %shift_right_arithmetic3A_290 : vector<16xi32>
        %add3A_292 = arith.addi %scan3A_288, %shift_right_arithmetic3A_291 : vector<16xi32>
        %broadcast_in_dim3A_293 = arith.constant 0 : i32
        %broadcast_in_dim3A_294 = vector.broadcast %broadcast_in_dim3A_293 : i32 to vector<16xi32>
        %scan3A_295 = arith.constant 0 : i32
        %scan3A_296 = arith.constant 1024 : i32
        %scan3A_297 = arith.addi %scan3A_295, %scan3A_296 : i32
        %scan3A_298 = arith.constant 1 : i32
        %scan3A_299 = scf.for %scan3A_304 = %scan3A_295 to %scan3A_297 step %scan3A_298 iter_args(%scan3A_305 = %broadcast_in_dim3A_294) -> (vector<16xi32>)  : i32 {
          %mul3A_306 = arith.constant 16 : i32
          %mul3A_307 = arith.muli %scan3A_304, %mul3A_306 : i32
          %get3A = arith.index_cast %mul3A_307 : i32 to index
          %get3A_308 = tpu.vector_load %run_scoped3A[%get3A] {strides = array<i32>} : memref<16384xf32, #tpu.memory_space<vmem>>, vector<16xf32>,
          %get3A_309 = vector.shape_cast %get3A_308 : vector<16xf32> to vector<16xf32>
          %bitcast_convert_type3A = tpu.bitcast %get3A_309 : vector<16xf32> -> vector<16xi32>
          %ge3A_310 = arith.cmpi sge, %bitcast_convert_type3A, %add3A_292 : vector<16xi32>
          %jit3A = arith.constant 1 : i32
          %jit3A_311 = arith.constant 0 : i32
          %broadcast_in_dim3A_312 = vector.broadcast %jit3A : i32 to vector<16xi32>
          %broadcast_in_dim3A_313 = vector.broadcast %jit3A_311 : i32 to vector<16xi32>
          %select_n3A_314 = arith.select %ge3A_310, %broadcast_in_dim3A_312, %broadcast_in_dim3A_313 : vector<16xi1>, vector<16xi32>
          %add3A_315 = arith.addi %scan3A_305, %select_n3A_314 : vector<16xi32>
          scf.yield %add3A_315 : vector<16xi32>
        }
        %scan3A_300 = arith.constant 1024 : i32
        %ge3A = arith.constant 64 : i32
        %ge3A_301 = vector.broadcast %ge3A : i32 to vector<16xi32>
        %ge3A_302 = arith.cmpi sge, %scan3A_299, %ge3A_301 : vector<16xi32>
        %select_n3A = arith.select %ge3A_302, %add3A_292, %scan3A_288 : vector<16xi1>, vector<16xi32>
        %select_n3A_303 = arith.select %ge3A_302, %scan3A_289, %add3A_292 : vector<16xi1>, vector<16xi32>
        scf.yield %select_n3A, %select_n3A_303 : vector<16xi32>, vector<16xi32>
      }
      %scan3A_282 = arith.constant 31 : i32
      %swap3A_283 = arith.constant 0 : index
      %swap3A_284 = tpu.vector_load %run_scoped3A_1[%swap3A_283] {strides = array<i32>} : memref<16xi32, #tpu.memory_space<vmem>>, vector<16xi32>,
      %swap3A_285 = vector.shape_cast %swap3A_284 : vector<16xi32> to vector<16xi32>
      %swap3A_286 = vector.shape_cast %scan3A_281#0 : vector<16xi32> to vector<16xi32>
      tpu.vector_store %run_scoped3A_1[%swap3A_283], %swap3A_286 {strides = array<i32>} : memref<16xi32, #tpu.memory_space<vmem>>, vector<16xi32>,
      "tpu.region"() ({
        %run_scoped3A_287 = tpu.sem_alloc : memref<!tpu.dma_semaphore, #tpu.memory_space<semaphore_mem>>
        %dma_start3A = arith.constant 0 : i32
        %dma_start3A_288 = tpu.memref_slice %arg3[%add3A_272, %dma_start3A] : memref<512x16xi32, #tpu.memory_space<hbm>> -> memref<1x16xi32, #tpu.memory_space<hbm>>
        %dma_start3A_289 = tpu.memref_squeeze %dma_start3A_288 : memref<1x16xi32, #tpu.memory_space<hbm>> -> memref<16xi32, #tpu.memory_space<hbm>>
        %dma_start3A_290 = arith.constant 0 : i32
        %dma_start3A_291 = tpu.memref_slice %arg3[%add3A_272, %dma_start3A_290] : memref<512x16xi32, #tpu.memory_space<hbm>> -> memref<1x16xi32, #tpu.memory_space<hbm>>
        %dma_start3A_292 = tpu.memref_squeeze %dma_start3A_291 : memref<1x16xi32, #tpu.memory_space<hbm>> -> memref<16xi32, #tpu.memory_space<hbm>>
        tpu.enqueue_dma source(%run_scoped3A_1 : memref<16xi32, #tpu.memory_space<vmem>>) target(%dma_start3A_292 : memref<16xi32, #tpu.memory_space<hbm>>) target_semaphore(%run_scoped3A_287 : memref<!tpu.dma_semaphore, #tpu.memory_space<semaphore_mem>>)
        %dma_wait3A = arith.constant 0 : i32
        %dma_wait3A_293 = tpu.memref_slice %arg3[%add3A_272, %dma_wait3A] : memref<512x16xi32, #tpu.memory_space<hbm>> -> memref<1x16xi32, #tpu.memory_space<hbm>>
        %dma_wait3A_294 = tpu.memref_squeeze %dma_wait3A_293 : memref<1x16xi32, #tpu.memory_space<hbm>> -> memref<16xi32, #tpu.memory_space<hbm>>
        %dma_wait3A_295 = arith.constant 0 : i32
        %dma_wait3A_296 = tpu.memref_slice %arg3[%add3A_272, %dma_wait3A_295] : memref<512x16xi32, #tpu.memory_space<hbm>> -> memref<1x16xi32, #tpu.memory_space<hbm>>
        %dma_wait3A_297 = tpu.memref_squeeze %dma_wait3A_296 : memref<1x16xi32, #tpu.memory_space<hbm>> -> memref<16xi32, #tpu.memory_space<hbm>>
        tpu.wait_dma2 semaphore(%run_scoped3A_287 : memref<!tpu.dma_semaphore, #tpu.memory_space<semaphore_mem>>) src(%run_scoped3A_1 : memref<16xi32, #tpu.memory_space<vmem>>) dst(%dma_wait3A_297 : memref<16xi32, #tpu.memory_space<hbm>>)
        tpu.yield
      }) : () -> ()
      tpu.yield
    }) : () -> ()
    return
  }
}

</mosaic_0001>

<sc_bundles>
// kernel: kernel.3.cloned.1.call-start
scs
__scs_entry_jumppad:
0x0: {  	(pc) =	sbr.rel $0x88, $3  }
0x1: {  	(tag) =	ssettag $0x0;
	lr =	simm.s32 $0x1  }
0x2: {  	[smem:$0x3FA0] =	sst lr;
	_ =	strace $0xD0000000  }
0x3: {  	_ = 	snop  }
0x4: {  	_ = 	snop  }
0x5: {  	_ = 	snop  }
0x6: {  	_ = 	snop  }
0x7: {  	_ = 	snop  }
__scs_overlays_trampoline_lowered:
0x8: {  	[smem:$0x3FAF] =	sst s0  }
0x9: {  	[smem:$0x3FB0] =	sst s1  }
0xa: {  	[smem:$0x3FB1] =	sst s2  }
0xb: {  	[smem:$0x3FB2] =	sst s3  }
0xc: {  	[smem:$0x3FB3] =	sst s4  }
0xd: {  	[smem:$0x3FB4] =	sst s5  }
0xe: {  	[smem:$0x3FB5] =	sst s6  }
0xf: {  	[smem:$0x3FB6] =	sst s7  }
0x10: {  	[smem:$0x3FB7] =	sst s8  }
0x11: {  	[smem:$0x3FB8] =	sst s9;
	s0 =	simm.s32 @!p0 $0x0  }
0x12: {  	s1 =	sld [smem:$0x3F9E];
	s0 =	simm.s32 @p0 $0x1  }
0x13: {  	[smem:$0x3FB9] =	sst s0;
	s0 =	simm.s32 @!p1 $0x0  }
0x14: {  	s2 =	sld [smem:$0x3F9D];
	s0 =	simm.s32 @p1 $0x1  }
0x15: {  	[smem:$0x3FBA] =	sst s0;
	s0 =	simm.s32 @!p2 $0x0  }
0x16: {  	s3 =	sld [smem:$0x3FDB];
	s0 =	simm.s32 @p2 $0x1  }
0x17: {  	s4 =	simm.s32 $0x1BF5;
	[smem:$0x3FBC] =	sst s0  }
0x18: {  	s0 =	sld [smem:$0x3F9F];
	_ =	swait.ge [sflag:s4], $0x0  }
0x19: {  	s7 =	sld [smem:$0x3FA0]  }
0x1a: {  	s8 =	sadd.s32 $0xFFFFE003, lr  }
0x1b: {  	s9 =	sadd.s32 $0xFFFFFEF7, lr;
	s5 =	simm.s32 $0xFFFFFFFF;
	p2 =	slt.u32 s8, $0xFFFFF086  }
0x1c: {  	p1 =	slt.u32 s9, $0xF7A;
	s5 =	simm.s32 @!p2 $0x0  }
0x1d: {  	s5 =	simm.s32 @p1 $0x1;
	p0 =	seq.s32 s7, s2  }
0x1e: {  	s7 =	smul.u32 @!p0 $0xF7A, s2;
	p2 =	seq.s32 @!p0 s5, $0x0  }
0x1f: {  	s9 =	smul.u32 $0xF7A, s1;
	s8 =	simm.s32 @!p0 $0x1BF5;
	p2 =	por !p2, p0  }
0x20: {  	[sflag:s8] =	ssyncset.s32 @!p0 $0xFFFFF086;
	s6 =	sadd.s32 @!p0 s3, s7;
	s7 =	simm.s32 @!p0 $0x108  }
0x21: {  	s3 =	sadd.s32 s3, s9;
	s6 =	sadd.s32 @!p0 $0x88, s6;
	s7 =	simm.s32 @p2 $0x1082  }
0x22: {  	[simem:s7], [sflag:s8] =	dma.local @!p0 [hbm:s6], $0xF7A  }
0x23: {  	s9 =	sor.u32 $0xD0000000, s2;
	s6 =	simm.s32 $0x108;
	_ =	swait.ge @!p0 [sflag:s8], $0x0  }
0x24: {  	s3 =	sadd.s32 $0x88, s3;
	s6 =	simm.s32 @!p1 $0x1082;
	[sflag:s4] =	ssyncset.s32 $0xFFFFF086  }
0x25: {  	[simem:s6], [sflag:s4] =	dma.local [hbm:s3], $0xF7A  }
0x26: {  	[smem:$0x3FA0] =	sst s1;
	(tag) =	ssettag s2;
	_ =	strace s9  }
0x27: {  	s1 =	sld [smem:$0x3FB0]  }
0x28: {  	s2 =	sld [smem:$0x3FB1]  }
0x29: {  	s4 =	sld [smem:$0x3FB3]  }
0x2a: {  	p0 =	seq.s32 s5, $0x0;
	s5 =	sld [smem:$0x3FB4]  }
0x2b: {  	s6 =	sld [smem:$0x3FB5]  }
0x2c: {  	s7 =	sld [smem:$0x3FB6]  }
0x2d: {  	s3 =	simm.s32 $0x108;
	s8 =	sld [smem:$0x3FB7]  }
0x2e: {  	s3 =	simm.s32 @!p0 $0x1082;
	s9 =	sld [smem:$0x3FB8]  }
0x2f: {  	lr =	sadd.s32 s0, s3;
	s0 =	sld [smem:$0x3FAF]  }
0x30: {  	s3 =	sld [smem:$0x3FB2]  }
0x31: {  	[smem:$0x3FBB] =	sst s10  }
0x32: {  	s10 =	sld [smem:$0x3FB9];
	_ =	sdelay $0x3  }
0x33: {  	p0 =	seq.s32 s10, $0x1;
	s10 =	sld [smem:$0x3FBB];
	_ =	sdelay $0x3  }
0x34: {  	[smem:$0x3FBB] =	sst s10  }
0x35: {  	s10 =	sld [smem:$0x3FBA];
	_ =	sdelay $0x3  }
0x36: {  	p1 =	seq.s32 s10, $0x1;
	s10 =	sld [smem:$0x3FBB];
	_ =	sdelay $0x3  }
0x37: {  	[smem:$0x3FBB] =	sst s10  }
0x38: {  	s10 =	sld [smem:$0x3FBC]  }
0x39: {  	_ = 	snop;
	(pc) =	sbr.ind lr, $3  }
0x3a: {  	_ = 	snop  }
0x3b: {  	_ = 	snop  }
0x3c: {  	p2 =	seq.s32 s10, $0x1;
	s10 =	sld [smem:$0x3FBB]  }
0x3d: {  	_ =	shalt  }
0x3e: {  	_ =	shalt  }
0x3f: {  	_ =	shalt  }
0x40: {  	_ =	shalt  }
0x41: {  	_ =	shalt  }
0x42: {  	_ =	shalt  }
0x43: {  	_ =	shalt  }
0x44: {  	_ =	shalt  }
0x45: {  	_ =	shalt  }
0x46: {  	_ =	shalt  }
0x47: {  	_ =	shalt  }
0x48: {  	_ =	shalt  }
0x49: {  	_ =	shalt  }
0x4a: {  	_ =	shalt  }
0x4b: {  	_ =	shalt  }
0x4c: {  	_ =	shalt  }
0x4d: {  	_ =	shalt  }
0x4e: {  	_ =	shalt  }
0x4f: {  	_ =	shalt  }
0x50: {  	_ =	shalt  }
0x51: {  	_ =	shalt  }
0x52: {  	_ =	shalt  }
0x53: {  	_ =	shalt  }
0x54: {  	_ =	shalt  }
0x55: {  	_ =	shalt  }
0x56: {  	_ =	shalt  }
0x57: {  	_ =	shalt  }
0x58: {  	_ =	shalt  }
0x59: {  	_ =	shalt  }
0x5a: {  	_ =	shalt  }
0x5b: {  	_ =	shalt  }
0x5c: {  	_ =	shalt  }
0x5d: {  	_ =	shalt  }
0x5e: {  	_ =	shalt  }
0x5f: {  	_ =	shalt  }
0x60: {  	_ =	shalt  }
0x61: {  	_ =	shalt  }
0x62: {  	_ =	shalt  }
0x63: {  	_ =	shalt  }
0x64: {  	_ =	shalt  }
0x65: {  	_ =	shalt  }
0x66: {  	_ =	shalt  }
0x67: {  	_ =	shalt  }
0x68: {  	_ =	shalt  }
0x69: {  	_ =	shalt  }
0x6a: {  	_ =	shalt  }
0x6b: {  	_ =	shalt  }
0x6c: {  	_ =	shalt  }
0x6d: {  	_ =	shalt  }
0x6e: {  	_ =	shalt  }
0x6f: {  	_ =	shalt  }
0x70: {  	_ =	shalt  }
0x71: {  	_ =	shalt  }
0x72: {  	_ =	shalt  }
0x73: {  	_ =	shalt  }
0x74: {  	_ =	shalt  }
0x75: {  	_ =	shalt  }
0x76: {  	_ =	shalt  }
0x77: {  	_ =	shalt  }
0x78: {  	_ =	shalt  }
0x79: {  	_ =	shalt  }
0x7a: {  	_ =	shalt  }
0x7b: {  	_ =	shalt  }
0x7c: {  	_ =	shalt  }
0x7d: {  	_ =	shalt  }
0x7e: {  	_ =	shalt  }
0x7f: {  	_ =	shalt  }
0x80: {  	_ =	shalt  }
0x81: {  	_ =	shalt  }
0x82: {  	_ =	shalt  }
0x83: {  	_ =	shalt  }
0x84: {  	_ =	shalt  }
0x85: {  	_ =	shalt  }
0x86: {  	_ =	shalt  }
0x87: {  	_ =	shalt  }
.Lfunc_end0:
.L_simem_size_0:
called_computation.1_lowered:
.L_overlay_start_0:
0x88: {  	s2 =	sld [smem:$0x3FD9]  }
0x89: {  	s3 =	sld [smem:$0x3FFE];
	_ =	sdelay $0x1  }
0x8a: {  	s1 =	srdreg.scid  }
0x8b: {  	s0 =	sand.u32 $0x1, s1  }
0x8c: {  	s17 =	sshll.u32 s0, $0xA;
	s2 =	sadd.s32 s3, s2  }
0x8d: {  	s2 =	sadd.s32 s2, s17  }
0x8e: {  	[smem:$0x3FC7] =	sst s2  }
0x8f: {  	_ = 	snop  }
0x90: {  	s2 =	sld [smem:$0x3FD0];
	(tm) =	ssettm $0x1  }
0x91: {  	s18 =	sld [smem:$0x3FFB];
	_ =	sdelay $0x3  }
0x92: {  	_ =	strace s18  }
0x93: {  	s3 =	sld [smem:$0x3FFC];
	_ =	sdelay $0x3  }
0x94: {  	_ =	strace s3  }
0x95: {  	s3 =	sld [smem:$0x3FFD];
	_ =	sdelay $0x3  }
0x96: {  	_ =	strace s3  }
0x97: {  	_ =	strace $0x8FFFFFFF  }
0x98: {  	s19 =	sld [smem:$0x3FDB];
	_ =	sdelay $0x1  }
0x99: {  	s4 =	simm.s32 $_scs_section_size  }
0x9a: {  	s5 =	simm.s32 $_size__tile_overlayer_lowered;
	s6 =	simm.s32 $_tile_overlayer_lowered  }
0x9b: {  	s22 =	simm.s32 $0x1BFF;
	s21 =	sshll.u32 s6, $0x1;
	s3 =	sadd.s32 s4, s19  }
0x9c: {  	s7 =	simm.s32 $0x0;
	s20 =	sshll.u32 s5, $0x1;
	s5 =	sadd.s32 s21, s3  }
0x9d: {  	[timem:s7], [sflag:s22] =	dma.local [hbm:s5], s20  }
0x9e: {  	_ =	swait.ge [sflag:s22], s20  }
0x9f: {  	s4 =	ssub.s32 $0x0, s20;
	[sflag:s22] =	ssyncset.done $0x0  }
0xa0: {  	[sflag:s22] =	ssyncadd.s32 s4;
	_ =	sdelay $0x1  }
0xa1: {  	s23 =	simm.s32 $0x1B8B  }
0xa2: {  	_ =	swait.ge [sflag:s23], $0x1  }
0xa3: {  	[sflag:s23] =	ssyncset.done $0x0  }
0xa4: {  	s25 =	simm.s32 $0x1B8E;
	s24 =	sld [smem:$0x3FFE];
	[sflag:s23] =	ssyncadd.s32 $0xFFFFFFFF  }
0xa5: {  	s26 =	simm.s32 $execute0_lowered;
	[smem:$0x3FD2] =	sst s25  }
0xa6: {  	s5 =	sshll.u32 s26, $0x1;
	_ =	strace $0x80000049;
	[dreg:$0x1] =	wrdreg $0xFFFFFFFF  }
0xa7: {  	s28 =	simm.s32 $_size_execute0_lowered;
	s3 =	sadd.s32 s3, s5;
	[dreg:$0x0] =	wrdreg $0x0  }
0xa8: {  	s5 =	sshll.u32 s28, $0x1;
	[dreg:$0x2] =	wrdreg s3  }
0xa9: {  	[dreg:$0x3] =	wrdreg s5  }
0xaa: {  	[dreg:$0x4] =	wrdreg $0xC0  }
0xab: {  	_ =	task [dreg:s7], $0x5FFFF  }
0xac: {  	[dreg:$0x1] =	wrdreg $0xFFFFFFFF  }
0xad: {  	[dreg:$0x0] =	wrdreg $0x60  }
0xae: {  	[dreg:$0x2] =	wrdreg s2  }
0xaf: {  	[dreg:$0x3] =	wrdreg s24  }
0xb0: {  	[dreg:$0x4] =	wrdreg $0x9  }
0xb1: {  	_ =	task.clear_ibuf [dreg:s7], $0x5FFFF;
	_ =	strace $0x90000049  }
0xb2: {  	s29 =	simm.s32 $0x9;
	_ =	strace $0x8000004B  }
0xb3: {  	_ =	swait.ge [sflag:s29], $0x1  }
0xb4: {  	[sflag:s29] =	ssyncadd.s32 $0xFFFFFFFF  }
0xb5: {  	_ =	strace $0x9000004B  }
0xb6: {  	_ =	sfence  }
0xb7: {  	s30 =	sld [smem:$0x0];
	_ =	sdelay $0x2  }
0xb8: {  	s31 =	sshll.u32 s1, $0xD;
	s1 =	sshrl.u32 s1, $0x2  }
0xb9: {  	s3 =	sand.u32 $0x4000, s31;
	s1 =	sadd.s32 s1, s30  }
0xba: {  	s0 =	sor.u32 s3, s0;
	s1 =	sshll.u32 s1, $0x11  }
0xbb: {  	s0 =	sor.u32 s1, s0  }
0xbc: {  	s0 =	sadd.s32 $0x8F2B, s0  }
0xbd: {  	[sflag:s0] =	ssyncadd.remote.s32 $0x1  }
0xbe: {  	_ =	sfence.sel $0xFFFF  }
0xbf: {  	[dreg:$0x0] =	wrdreg $0xFFFFFFFF;
	(pc) =	sbr.abs _section_cstart, $3  }
0xc0: {  	[dreg:$0x1] =	wrdreg $0xFFFFFFFF  }
0xc1: {  	_ =	task.clear_ibuf [dreg:s7], $0x2FFFF;
	_ =	strace $0x9FFFFFFF  }
0xc2: {  	(tm) =	ssettm $0x7FFFFFFF  }
0xc3: {  	_ =	shalt  }
tec
execute0_lowered:
.L_overlay_start_1:
0x0: {  	(tag) =	ssettag $0x1  }
0x1: {  	s0 =	rddreg [dreg:$0x0];
	s1 =	srdreg.scid  }
0x2: {  	s2 =	rddreg [dreg:$0x1];
	s3 =	stileid.u32;
	s11 =	simm.s32 $0x0  }
0x3: {  	s1 =	sand.u32 $0x1, s1;
	s3 =	sshll.u32 s3, $0x5;
	[smem:$0x7FF] =	sst s11  }
0x4: {  	s19 =	sadd.s32 $0x10, s0;
	s20 =	sadd.s32 $0x20, s0;
	s9 =	sadd.s32 $0x410, s2  }
0x5: {  	s21 =	sadd.s32 $0x30, s0;
	s26 =	sadd.s32 $0x420, s2;
	s4 =	sshll.u32 s1, $0x4  }
0x6: {  	s14 =	sadd.s32 $0x40, s0;
	s15 =	sadd.s32 $0x50, s0;
	s3 =	sor.u32 s4, s3  }
0x7: {  	s16 =	sadd.s32 $0x60, s0;
	s17 =	sadd.s32 $0x70, s0;
	s6 =	sshll.u32 s3, $0xB  }
0x8: {  	s1 =	ssub.s32 $0x2, s1;
	s4 =	sadd.s32 $0x400, s2;
	s18 =	sadd.s32 s0, s6  }
0x9: {  	s5 =	sshrl.u32 s1, $0x1;
	s8 =	sadd.s32 s6, s19;
	[dreg:$0x3] =	wrdreg s18  }
0xa: {  	s5 =	ssub.s32 s1, s5;
	s10 =	sadd.s32 s6, s20;
	[dreg:$0x4] =	wrdreg s8  }
0xb: {  	s7 =	sshll.u32 s3, $0x4;
	s12 =	sadd.s32 s6, s21;
	[dreg:$0x5] =	wrdreg s10  }
0xc: {  	s3 =	sshrl.u32 s3, $0x3;
	s22 =	sadd.s32 s6, s14;
	[dreg:$0x6] =	wrdreg s12  }
0xd: {  	s1 =	sadd.s32 $0x430, s2;
	s23 =	sadd.s32 s6, s15;
	[dreg:$0x7] =	wrdreg s22  }
0xe: {  	s3 =	sor.u32 $0x1, s3;
	s24 =	sadd.s32 s6, s16;
	[dreg:$0x8] =	wrdreg s23  }
0xf: {  	s6 =	sadd.s32 s6, s17;
	[dreg:$0x9] =	wrdreg s24;
	s18 =	sshll.u32 s3, $0xE  }
0x10: {  	[dreg:$0xa] =	wrdreg s6;
	s6 =	sadd.s32 $0x440, s2;
	s8 =	sadd.s32 $0x450, s2  }
0x11: {  	s10 =	sadd.s32 $0x460, s2;
	s2 =	sadd.s32 $0x470, s2;
	s3 =	sshll.u32 s3, $0x7  }
0x12: {  	s0 =	sadd.s32 s0, s18;
	s25 =	sadd.s32 s18, s19;
	s12 =	sadd.s32 s18, s20  }
0x13: {  	s13 =	sadd.s32 s18, s21;
	s14 =	sadd.s32 s18, s14;
	s15 =	sadd.s32 s18, s15  }
0x14: {  	s16 =	sadd.s32 s18, s16;
	s17 =	sadd.s32 s18, s17;
	s18 =	sadd.s32 s4, s7  }
0x15: {  	s19 =	sadd.s32 s7, s9;
	s20 =	sadd.s32 s7, s26;
	s21 =	sadd.s32 s7, s1  }
0x16: {  	s22 =	sadd.s32 s7, s6;
	s23 =	sadd.s32 s7, s8;
	s24 =	sadd.s32 s7, s10  }
0x17: {  	s28 =	sadd.s32 s4, s3;
	s29 =	sadd.s32 s3, s9;
	s30 =	sadd.s32 s3, s26  }
0x18: {  	s31 =	sadd.s32 s3, s1;
	s26 =	sadd.s32 s3, s6;
	s1 =	sadd.s32 s3, s10  }
0x19: {  	s4 =	simm.s32 $0x80;
	s6 =	simm.s32 $0x1;
	[dreg:$0xb] =	wrdreg s0  }
0x1a: {  	[dreg:$0xc] =	wrdreg s25;
	s25 =	sadd.s32 s7, s2;
	s0 =	sadd.s32 s3, s8  }
0x1b: {  	s2 =	sadd.s32 s3, s2;
	s3 =	smax.u32 s5, $0x1;
	s5 =	simm.s32 $0x400  }
0x1c: {  	v0 =	vimm.s32 $0x0;
	s7 =	simm.s32 $0x4000;
	s8 =	simm.s32 $0x0;
	_ =	strace $0x8000004A  }
.LBB2_1:
0x1d: {  	s9 =	rddreg [dreg:$0x3]  }
0x1e: {  	[tilespmem:s11], [sflag:$0x1] =	stream.strided.gather [hbm4b:s9+s4], $0x4000, s5, s4, $0x38;
	[tilespmem:$0x4080] =	vst v63  }
0x1f: {  	_ =	swait.ge [sflag:s6], $0x4000  }
0x20: {  	[sflag:s6] =	ssyncset.done $0x0  }
0x21: {  	v2 =	vimm.s32 $0x7F800000;
	v1 =	vimm.s32 $0x0;
	s9 =	simm.s32 $0x0;
	[sflag:s6] =	ssyncadd.s32 $0xFFFFC000  }
.LBB2_2:
0x22: {  	v3 =	vsub.s32 v2, v1;
	s11 =	simm.s32 $0x0  }
0x23: {  	v3 =	vshra.s32 v3, $0x1;
	v5 =	vld [tilespmem:s11+$0x0]  }
0x24: {  	v4 =	vimm.s32 $0x0;
	s10 =	simm.s32 $0x40;
	v3 =	vadd.s32 v1, v3  }
.LBB2_3:
0x25: {  	p0 =	sne.s32 s10, $0xFFC0  }
.Ltmp0:
0x26: {  	_ = 	snop;
	(pc) =	sbr.rel @p0 .LBB2_3-.Ltmp0, $4  }
0x27: {  	_ = 	snop  }
0x28: {  	s11 =	sshra.s32 s10, $0x2;
	s10 =	sadd.s32 $0x40, s10;
	vm0 =	vge.s32 v5, v3  }
0x29: {  	v5 =	vld [tilespmem:s11+$0x0];
	v6 =	vsel vm0, $0x1, v0  }
0x2a: {  	v4 =	vadd.s32 v6, v4  }
0x2b: {  	_ = 	snop  }
0x2c: {  	s9 =	sadd.s32 $0x1, s9  }
0x2d: {  	p0 =	sne.s32 s9, $0x1F  }
.Ltmp1:
0x2e: {  	vm0 =	vge.s32 v5, v3;
	(pc) =	sbr.rel @p0 .LBB2_2-.Ltmp1, $4  }
0x2f: {  	v5 =	vsel vm0, $0x1, v0  }
0x30: {  	v4 =	vadd.s32 v5, v4  }
0x31: {  	vm15 =	vgt.s32 v4, $0x3F  }
0x32: {  	v1 =	vsel vm15, v3, v1;
	v2 =	vsel vm15, v2, v3  }
0x33: {  	[tilespmem:$0x4000] =	vst v1;
	s9 =	simm.s32 $0x0  }
0x34: {  	[hbm4b:s18+s9] =	stream.linear.scatter [tilespmem:s7], [sflag:$0x1], $0x80, $0x38;
	[tilespmem:$0x4080] =	vst v63  }
0x35: {  	_ =	swait.ge [sflag:s6], $0x80  }
0x36: {  	[sflag:s6] =	ssyncset.done $0x0  }
0x37: {  	s10 =	rddreg [dreg:$0x4];
	[sflag:s6] =	ssyncadd.s32 $0xFFFFFF80  }
0x38: {  	[tilespmem:s9], [sflag:$0x1] =	stream.strided.gather [hbm4b:s10+s4], $0x4000, s5, s4, $0x38;
	[tilespmem:$0x4080] =	vst v63  }
0x39: {  	_ =	swait.ge [sflag:s6], $0x4000  }
0x3a: {  	[sflag:s6] =	ssyncset.done $0x0  }
0x3b: {  	v1 =	vimm.s32 $0x0;
	v2 =	vimm.s32 $0x7F800000;
	[sflag:s6] =	ssyncadd.s32 $0xFFFFC000  }
.LBB2_6:
0x3c: {  	v3 =	vsub.s32 v2, v1;
	s11 =	simm.s32 $0x0  }
0x3d: {  	v3 =	vshra.s32 v3, $0x1;
	v5 =	vld [tilespmem:s11+$0x0]  }
0x3e: {  	s10 =	simm.s32 $0x40;
	v4 =	vimm.s32 $0x0;
	v3 =	vadd.s32 v1, v3  }
.LBB2_7:
0x3f: {  	p0 =	sne.s32 s10, $0xFFC0  }
.Ltmp2:
0x40: {  	_ = 	snop;
	(pc) =	sbr.rel @p0 .LBB2_7-.Ltmp2, $4  }
0x41: {  	_ = 	snop  }
0x42: {  	s11 =	sshra.s32 s10, $0x2;
	s10 =	sadd.s32 $0x40, s10;
	vm0 =	vge.s32 v5, v3  }
0x43: {  	v5 =	vld [tilespmem:s11+$0x0];
	v6 =	vsel vm0, $0x1, v0  }
0x44: {  	v4 =	vadd.s32 v6, v4  }
0x45: {  	_ = 	snop  }
0x46: {  	s9 =	sadd.s32 $0x1, s9  }
0x47: {  	p0 =	sne.s32 s9, $0x1F  }
.Ltmp3:
0x48: {  	vm0 =	vge.s32 v5, v3;
	(pc) =	sbr.rel @p0 .LBB2_6-.Ltmp3, $4  }
0x49: {  	v5 =	vsel vm0, $0x1, v0  }
0x4a: {  	v4 =	vadd.s32 v5, v4  }
0x4b: {  	vm15 =	vgt.s32 v4, $0x3F  }
0x4c: {  	v1 =	vsel vm15, v3, v1;
	v2 =	vsel vm15, v2, v3  }
0x4d: {  	[tilespmem:$0x4000] =	vst v1;
	s9 =	simm.s32 $0x0  }
0x4e: {  	[hbm4b:s19+s9] =	stream.linear.scatter [tilespmem:s7], [sflag:$0x1], $0x80, $0x38;
	[tilespmem:$0x4080] =	vst v63  }
0x4f: {  	_ =	swait.ge [sflag:s6], $0x80  }
0x50: {  	[sflag:s6] =	ssyncset.done $0x0  }
0x51: {  	s10 =	rddreg [dreg:$0x5];
	[sflag:s6] =	ssyncadd.s32 $0xFFFFFF80  }
0x52: {  	[tilespmem:s9], [sflag:$0x1] =	stream.strided.gather [hbm4b:s10+s4], $0x4000, s5, s4, $0x38;
	[tilespmem:$0x4080] =	vst v63  }
0x53: {  	_ =	swait.ge [sflag:s6], $0x4000  }
0x54: {  	[sflag:s6] =	ssyncset.done $0x0  }
0x55: {  	v1 =	vimm.s32 $0x0;
	v2 =	vimm.s32 $0x7F800000;
	[sflag:s6] =	ssyncadd.s32 $0xFFFFC000  }
.LBB2_10:
0x56: {  	v3 =	vsub.s32 v2, v1;
	s11 =	simm.s32 $0x0  }
0x57: {  	v3 =	vshra.s32 v3, $0x1;
	v5 =	vld [tilespmem:s11+$0x0]  }
0x58: {  	s10 =	simm.s32 $0x40;
	v4 =	vimm.s32 $0x0;
	v3 =	vadd.s32 v1, v3  }
.LBB2_11:
0x59: {  	p0 =	sne.s32 s10, $0xFFC0  }
.Ltmp4:
0x5a: {  	_ = 	snop;
	(pc) =	sbr.rel @p0 .LBB2_11-.Ltmp4, $4  }
0x5b: {  	_ = 	snop  }
0x5c: {  	s11 =	sshra.s32 s10, $0x2;
	s10 =	sadd.s32 $0x40, s10;
	vm0 =	vge.s32 v5, v3  }
0x5d: {  	v5 =	vld [tilespmem:s11+$0x0];
	v6 =	vsel vm0, $0x1, v0  }
0x5e: {  	v4 =	vadd.s32 v6, v4  }
0x5f: {  	_ = 	snop  }
0x60: {  	s9 =	sadd.s32 $0x1, s9  }
0x61: {  	p0 =	sne.s32 s9, $0x1F  }
.Ltmp5:
0x62: {  	vm0 =	vge.s32 v5, v3;
	(pc) =	sbr.rel @p0 .LBB2_10-.Ltmp5, $4  }
0x63: {  	v5 =	vsel vm0, $0x1, v0  }
0x64: {  	v4 =	vadd.s32 v5, v4  }
0x65: {  	vm15 =	vgt.s32 v4, $0x3F  }
0x66: {  	v1 =	vsel vm15, v3, v1;
	v2 =	vsel vm15, v2, v3  }
0x67: {  	[tilespmem:$0x4000] =	vst v1;
	s9 =	simm.s32 $0x0  }
0x68: {  	[hbm4b:s20+s9] =	stream.linear.scatter [tilespmem:s7], [sflag:$0x1], $0x80, $0x38;
	[tilespmem:$0x4080] =	vst v63  }
0x69: {  	_ =	swait.ge [sflag:s6], $0x80  }
0x6a: {  	[sflag:s6] =	ssyncset.done $0x0  }
0x6b: {  	s10 =	rddreg [dreg:$0x6];
	[sflag:s6] =	ssyncadd.s32 $0xFFFFFF80  }
0x6c: {  	[tilespmem:s9], [sflag:$0x1] =	stream.strided.gather [hbm4b:s10+s4], $0x4000, s5, s4, $0x38;
	[tilespmem:$0x4080] =	vst v63  }
0x6d: {  	_ =	swait.ge [sflag:s6], $0x4000  }
0x6e: {  	[sflag:s6] =	ssyncset.done $0x0  }
0x6f: {  	v1 =	vimm.s32 $0x0;
	v2 =	vimm.s32 $0x7F800000;
	[sflag:s6] =	ssyncadd.s32 $0xFFFFC000  }
.LBB2_14:
0x70: {  	v3 =	vsub.s32 v2, v1;
	s11 =	simm.s32 $0x0  }
0x71: {  	v3 =	vshra.s32 v3, $0x1;
	v5 =	vld [tilespmem:s11+$0x0]  }
0x72: {  	s10 =	simm.s32 $0x40;
	v4 =	vimm.s32 $0x0;
	v3 =	vadd.s32 v1, v3  }
.LBB2_15:
0x73: {  	p0 =	sne.s32 s10, $0xFFC0  }
.Ltmp6:
0x74: {  	_ = 	snop;
	(pc) =	sbr.rel @p0 .LBB2_15-.Ltmp6, $4  }
0x75: {  	_ = 	snop  }
0x76: {  	s11 =	sshra.s32 s10, $0x2;
	s10 =	sadd.s32 $0x40, s10;
	vm0 =	vge.s32 v5, v3  }
0x77: {  	v5 =	vld [tilespmem:s11+$0x0];
	v6 =	vsel vm0, $0x1, v0  }
0x78: {  	v4 =	vadd.s32 v6, v4  }
0x79: {  	_ = 	snop  }
0x7a: {  	s9 =	sadd.s32 $0x1, s9  }
0x7b: {  	p0 =	sne.s32 s9, $0x1F  }
.Ltmp7:
0x7c: {  	vm0 =	vge.s32 v5, v3;
	(pc) =	sbr.rel @p0 .LBB2_14-.Ltmp7, $4  }
0x7d: {  	v5 =	vsel vm0, $0x1, v0  }
0x7e: {  	v4 =	vadd.s32 v5, v4  }
0x7f: {  	vm15 =	vgt.s32 v4, $0x3F  }
0x80: {  	v1 =	vsel vm15, v3, v1;
	v2 =	vsel vm15, v2, v3  }
0x81: {  	[tilespmem:$0x4000] =	vst v1;
	s9 =	simm.s32 $0x0  }
0x82: {  	[hbm4b:s21+s9] =	stream.linear.scatter [tilespmem:s7], [sflag:$0x1], $0x80, $0x38;
	[tilespmem:$0x4080] =	vst v63  }
0x83: {  	_ =	swait.ge [sflag:s6], $0x80  }
0x84: {  	[sflag:s6] =	ssyncset.done $0x0  }
0x85: {  	s10 =	rddreg [dreg:$0x7];
	[sflag:s6] =	ssyncadd.s32 $0xFFFFFF80  }
0x86: {  	[tilespmem:s9], [sflag:$0x1] =	stream.strided.gather [hbm4b:s10+s4], $0x4000, s5, s4, $0x38;
	[tilespmem:$0x4080] =	vst v63  }
0x87: {  	_ =	swait.ge [sflag:s6], $0x4000  }
0x88: {  	[sflag:s6] =	ssyncset.done $0x0  }
0x89: {  	v1 =	vimm.s32 $0x0;
	v2 =	vimm.s32 $0x7F800000;
	[sflag:s6] =	ssyncadd.s32 $0xFFFFC000  }
.LBB2_18:
0x8a: {  	v3 =	vsub.s32 v2, v1;
	s11 =	simm.s32 $0x0  }
0x8b: {  	v3 =	vshra.s32 v3, $0x1;
	v5 =	vld [tilespmem:s11+$0x0]  }
0x8c: {  	s10 =	simm.s32 $0x40;
	v4 =	vimm.s32 $0x0;
	v3 =	vadd.s32 v1, v3  }
.LBB2_19:
0x8d: {  	p0 =	sne.s32 s10, $0xFFC0  }
.Ltmp8:
0x8e: {  	_ = 	snop;
	(pc) =	sbr.rel @p0 .LBB2_19-.Ltmp8, $4  }
0x8f: {  	_ = 	snop  }
0x90: {  	s11 =	sshra.s32 s10, $0x2;
	s10 =	sadd.s32 $0x40, s10;
	vm0 =	vge.s32 v5, v3  }
0x91: {  	v5 =	vld [tilespmem:s11+$0x0];
	v6 =	vsel vm0, $0x1, v0  }
0x92: {  	v4 =	vadd.s32 v6, v4  }
0x93: {  	_ = 	snop  }
0x94: {  	s9 =	sadd.s32 $0x1, s9  }
0x95: {  	p0 =	sne.s32 s9, $0x1F  }
.Ltmp9:
0x96: {  	vm0 =	vge.s32 v5, v3;
	(pc) =	sbr.rel @p0 .LBB2_18-.Ltmp9, $4  }
0x97: {  	v5 =	vsel vm0, $0x1, v0  }
0x98: {  	v4 =	vadd.s32 v5, v4  }
0x99: {  	vm15 =	vgt.s32 v4, $0x3F  }
0x9a: {  	v1 =	vsel vm15, v3, v1;
	v2 =	vsel vm15, v2, v3  }
0x9b: {  	[tilespmem:$0x4000] =	vst v1;
	s9 =	simm.s32 $0x0  }
0x9c: {  	[hbm4b:s22+s9] =	stream.linear.scatter [tilespmem:s7], [sflag:$0x1], $0x80, $0x38;
	[tilespmem:$0x4080] =	vst v63  }
0x9d: {  	_ =	swait.ge [sflag:s6], $0x80  }
0x9e: {  	[sflag:s6] =	ssyncset.done $0x0  }
0x9f: {  	s10 =	rddreg [dreg:$0x8];
	[sflag:s6] =	ssyncadd.s32 $0xFFFFFF80  }
0xa0: {  	[tilespmem:s9], [sflag:$0x1] =	stream.strided.gather [hbm4b:s10+s4], $0x4000, s5, s4, $0x38;
	[tilespmem:$0x4080] =	vst v63  }
0xa1: {  	_ =	swait.ge [sflag:s6], $0x4000  }
0xa2: {  	[sflag:s6] =	ssyncset.done $0x0  }
0xa3: {  	v1 =	vimm.s32 $0x0;
	v2 =	vimm.s32 $0x7F800000;
	[sflag:s6] =	ssyncadd.s32 $0xFFFFC000  }
.LBB2_22:
0xa4: {  	v3 =	vsub.s32 v2, v1;
	s11 =	simm.s32 $0x0  }
0xa5: {  	v3 =	vshra.s32 v3, $0x1;
	v5 =	vld [tilespmem:s11+$0x0]  }
0xa6: {  	s10 =	simm.s32 $0x40;
	v4 =	vimm.s32 $0x0;
	v3 =	vadd.s32 v1, v3  }
.LBB2_23:
0xa7: {  	p0 =	sne.s32 s10, $0xFFC0  }
.Ltmp10:
0xa8: {  	_ = 	snop;
	(pc) =	sbr.rel @p0 .LBB2_23-.Ltmp10, $4  }
0xa9: {  	_ = 	snop  }
0xaa: {  	s11 =	sshra.s32 s10, $0x2;
	s10 =	sadd.s32 $0x40, s10;
	vm0 =	vge.s32 v5, v3  }
0xab: {  	v5 =	vld [tilespmem:s11+$0x0];
	v6 =	vsel vm0, $0x1, v0  }
0xac: {  	v4 =	vadd.s32 v6, v4  }
0xad: {  	_ = 	snop  }
0xae: {  	s9 =	sadd.s32 $0x1, s9  }
0xaf: {  	p0 =	sne.s32 s9, $0x1F  }
.Ltmp11:
0xb0: {  	vm0 =	vge.s32 v5, v3;
	(pc) =	sbr.rel @p0 .LBB2_22-.Ltmp11, $4  }
0xb1: {  	v5 =	vsel vm0, $0x1, v0  }
0xb2: {  	v4 =	vadd.s32 v5, v4  }
0xb3: {  	vm15 =	vgt.s32 v4, $0x3F  }
0xb4: {  	v1 =	vsel vm15, v3, v1;
	v2 =	vsel vm15, v2, v3  }
0xb5: {  	[tilespmem:$0x4000] =	vst v1;
	s9 =	simm.s32 $0x0  }
0xb6: {  	[hbm4b:s23+s9] =	stream.linear.scatter [tilespmem:s7], [sflag:$0x1], $0x80, $0x38;
	[tilespmem:$0x4080] =	vst v63  }
0xb7: {  	_ =	swait.ge [sflag:s6], $0x80  }
0xb8: {  	[sflag:s6] =	ssyncset.done $0x0  }
0xb9: {  	s10 =	rddreg [dreg:$0x9];
	[sflag:s6] =	ssyncadd.s32 $0xFFFFFF80  }
0xba: {  	[tilespmem:s9], [sflag:$0x1] =	stream.strided.gather [hbm4b:s10+s4], $0x4000, s5, s4, $0x38;
	[tilespmem:$0x4080] =	vst v63  }
0xbb: {  	_ =	swait.ge [sflag:s6], $0x4000  }
0xbc: {  	[sflag:s6] =	ssyncset.done $0x0  }
0xbd: {  	v1 =	vimm.s32 $0x0;
	v2 =	vimm.s32 $0x7F800000;
	[sflag:s6] =	ssyncadd.s32 $0xFFFFC000  }
.LBB2_26:
0xbe: {  	v3 =	vsub.s32 v2, v1;
	s11 =	simm.s32 $0x0  }
0xbf: {  	v3 =	vshra.s32 v3, $0x1;
	v5 =	vld [tilespmem:s11+$0x0]  }
0xc0: {  	s10 =	simm.s32 $0x40;
	v4 =	vimm.s32 $0x0;
	v3 =	vadd.s32 v1, v3  }
.LBB2_27:
0xc1: {  	p0 =	sne.s32 s10, $0xFFC0  }
.Ltmp12:
0xc2: {  	_ = 	snop;
	(pc) =	sbr.rel @p0 .LBB2_27-.Ltmp12, $4  }
0xc3: {  	_ = 	snop  }
0xc4: {  	s11 =	sshra.s32 s10, $0x2;
	s10 =	sadd.s32 $0x40, s10;
	vm0 =	vge.s32 v5, v3  }
0xc5: {  	v5 =	vld [tilespmem:s11+$0x0];
	v6 =	vsel vm0, $0x1, v0  }
0xc6: {  	v4 =	vadd.s32 v6, v4  }
0xc7: {  	_ = 	snop  }
0xc8: {  	s9 =	sadd.s32 $0x1, s9  }
0xc9: {  	p0 =	sne.s32 s9, $0x1F  }
.Ltmp13:
0xca: {  	vm0 =	vge.s32 v5, v3;
	(pc) =	sbr.rel @p0 .LBB2_26-.Ltmp13, $4  }
0xcb: {  	v5 =	vsel vm0, $0x1, v0  }
0xcc: {  	v4 =	vadd.s32 v5, v4  }
0xcd: {  	vm15 =	vgt.s32 v4, $0x3F  }
0xce: {  	v1 =	vsel vm15, v3, v1;
	v2 =	vsel vm15, v2, v3  }
0xcf: {  	[tilespmem:$0x4000] =	vst v1;
	s9 =	simm.s32 $0x0  }
0xd0: {  	[hbm4b:s24+s9] =	stream.linear.scatter [tilespmem:s7], [sflag:$0x1], $0x80, $0x38;
	[tilespmem:$0x4080] =	vst v63  }
0xd1: {  	_ =	swait.ge [sflag:s6], $0x80  }
0xd2: {  	[sflag:s6] =	ssyncset.done $0x0  }
0xd3: {  	s10 =	rddreg [dreg:$0xa];
	[sflag:s6] =	ssyncadd.s32 $0xFFFFFF80  }
0xd4: {  	[tilespmem:s9], [sflag:$0x1] =	stream.strided.gather [hbm4b:s10+s4], $0x4000, s5, s4, $0x38;
	[tilespmem:$0x4080] =	vst v63  }
0xd5: {  	_ =	swait.ge [sflag:s6], $0x4000  }
0xd6: {  	[sflag:s6] =	ssyncset.done $0x0  }
0xd7: {  	v1 =	vimm.s32 $0x0;
	v2 =	vimm.s32 $0x7F800000;
	[sflag:s6] =	ssyncadd.s32 $0xFFFFC000  }
.LBB2_30:
0xd8: {  	v3 =	vsub.s32 v2, v1;
	s11 =	simm.s32 $0x0  }
0xd9: {  	v3 =	vshra.s32 v3, $0x1;
	v5 =	vld [tilespmem:s11+$0x0]  }
0xda: {  	s10 =	simm.s32 $0x40;
	v4 =	vimm.s32 $0x0;
	v3 =	vadd.s32 v1, v3  }
.LBB2_31:
0xdb: {  	p0 =	sne.s32 s10, $0xFFC0  }
.Ltmp14:
0xdc: {  	_ = 	snop;
	(pc) =	sbr.rel @p0 .LBB2_31-.Ltmp14, $4  }
0xdd: {  	_ = 	snop  }
0xde: {  	s11 =	sshra.s32 s10, $0x2;
	s10 =	sadd.s32 $0x40, s10;
	vm0 =	vge.s32 v5, v3  }
0xdf: {  	v5 =	vld [tilespmem:s11+$0x0];
	v6 =	vsel vm0, $0x1, v0  }
0xe0: {  	v4 =	vadd.s32 v6, v4  }
0xe1: {  	_ = 	snop  }
0xe2: {  	s9 =	sadd.s32 $0x1, s9  }
0xe3: {  	p0 =	sne.s32 s9, $0x1F  }
.Ltmp15:
0xe4: {  	vm0 =	vge.s32 v5, v3;
	(pc) =	sbr.rel @p0 .LBB2_30-.Ltmp15, $4  }
0xe5: {  	v5 =	vsel vm0, $0x1, v0  }
0xe6: {  	v4 =	vadd.s32 v5, v4  }
0xe7: {  	vm15 =	vgt.s32 v4, $0x3F  }
0xe8: {  	v1 =	vsel vm15, v3, v1;
	v2 =	vsel vm15, v2, v3  }
0xe9: {  	[tilespmem:$0x4000] =	vst v1;
	s9 =	simm.s32 $0x0  }
0xea: {  	[hbm4b:s25+s9] =	stream.linear.scatter [tilespmem:s7], [sflag:$0x1], $0x80, $0x38;
	[tilespmem:$0x4080] =	vst v63  }
0xeb: {  	_ =	swait.ge [sflag:s6], $0x80  }
0xec: {  	[sflag:s6] =	ssyncset.done $0x0  }
0xed: {  	s10 =	rddreg [dreg:$0xb];
	[sflag:s6] =	ssyncadd.s32 $0xFFFFFF80  }
0xee: {  	[tilespmem:s9], [sflag:$0x1] =	stream.strided.gather [hbm4b:s10+s4], $0x4000, s5, s4, $0x38;
	[tilespmem:$0x4080] =	vst v63  }
0xef: {  	_ =	swait.ge [sflag:s6], $0x4000  }
0xf0: {  	[sflag:s6] =	ssyncset.done $0x0  }
0xf1: {  	v1 =	vimm.s32 $0x0;
	v2 =	vimm.s32 $0x7F800000;
	[sflag:s6] =	ssyncadd.s32 $0xFFFFC000  }
.LBB2_34:
0xf2: {  	v3 =	vsub.s32 v2, v1;
	s11 =	simm.s32 $0x0  }
0xf3: {  	v3 =	vshra.s32 v3, $0x1;
	v5 =	vld [tilespmem:s11+$0x0]  }
0xf4: {  	s10 =	simm.s32 $0x40;
	v4 =	vimm.s32 $0x0;
	v3 =	vadd.s32 v1, v3  }
.LBB2_35:
0xf5: {  	p0 =	sne.s32 s10, $0xFFC0  }
.Ltmp16:
0xf6: {  	_ = 	snop;
	(pc) =	sbr.rel @p0 .LBB2_35-.Ltmp16, $4  }
0xf7: {  	_ = 	snop  }
0xf8: {  	s11 =	sshra.s32 s10, $0x2;
	s10 =	sadd.s32 $0x40, s10;
	vm0 =	vge.s32 v5, v3  }
0xf9: {  	v5 =	vld [tilespmem:s11+$0x0];
	v6 =	vsel vm0, $0x1, v0  }
0xfa: {  	v4 =	vadd.s32 v6, v4  }
0xfb: {  	_ = 	snop  }
0xfc: {  	s9 =	sadd.s32 $0x1, s9  }
0xfd: {  	p0 =	sne.s32 s9, $0x1F  }
.Ltmp17:
0xfe: {  	vm0 =	vge.s32 v5, v3;
	(pc) =	sbr.rel @p0 .LBB2_34-.Ltmp17, $4  }
0xff: {  	v5 =	vsel vm0, $0x1, v0  }
0x100: {  	v4 =	vadd.s32 v5, v4  }
0x101: {  	vm15 =	vgt.s32 v4, $0x3F  }
0x102: {  	v1 =	vsel vm15, v3, v1;
	v2 =	vsel vm15, v2, v3  }
0x103: {  	[tilespmem:$0x4000] =	vst v1;
	s9 =	simm.s32 $0x0  }
0x104: {  	[hbm4b:s28+s9] =	stream.linear.scatter [tilespmem:s7], [sflag:$0x1], $0x80, $0x38;
	[tilespmem:$0x4080] =	vst v63  }
0x105: {  	_ =	swait.ge [sflag:s6], $0x80  }
0x106: {  	[sflag:s6] =	ssyncset.done $0x0  }
0x107: {  	s10 =	rddreg [dreg:$0xc];
	[sflag:s6] =	ssyncadd.s32 $0xFFFFFF80  }
0x108: {  	[tilespmem:s9], [sflag:$0x1] =	stream.strided.gather [hbm4b:s10+s4], $0x4000, s5, s4, $0x38;
	[tilespmem:$0x4080] =	vst v63  }
0x109: {  	_ =	swait.ge [sflag:s6], $0x4000  }
0x10a: {  	[sflag:s6] =	ssyncset.done $0x0  }
0x10b: {  	v1 =	vimm.s32 $0x0;
	v2 =	vimm.s32 $0x7F800000;
	[sflag:s6] =	ssyncadd.s32 $0xFFFFC000  }
.LBB2_38:
0x10c: {  	v3 =	vsub.s32 v2, v1;
	s11 =	simm.s32 $0x0  }
0x10d: {  	v3 =	vshra.s32 v3, $0x1;
	v5 =	vld [tilespmem:s11+$0x0]  }
0x10e: {  	s10 =	simm.s32 $0x40;
	v4 =	vimm.s32 $0x0;
	v3 =	vadd.s32 v1, v3  }
.LBB2_39:
0x10f: {  	p0 =	sne.s32 s10, $0xFFC0  }
.Ltmp18:
0x110: {  	_ = 	snop;
	(pc) =	sbr.rel @p0 .LBB2_39-.Ltmp18, $4  }
0x111: {  	_ = 	snop  }
0x112: {  	s11 =	sshra.s32 s10, $0x2;
	s10 =	sadd.s32 $0x40, s10;
	vm0 =	vge.s32 v5, v3  }
0x113: {  	v5 =	vld [tilespmem:s11+$0x0];
	v6 =	vsel vm0, $0x1, v0  }
0x114: {  	v4 =	vadd.s32 v6, v4  }
0x115: {  	_ = 	snop  }
0x116: {  	s9 =	sadd.s32 $0x1, s9  }
0x117: {  	p0 =	sne.s32 s9, $0x1F  }
.Ltmp19:
0x118: {  	vm0 =	vge.s32 v5, v3;
	(pc) =	sbr.rel @p0 .LBB2_38-.Ltmp19, $4  }
0x119: {  	v5 =	vsel vm0, $0x1, v0  }
0x11a: {  	v4 =	vadd.s32 v5, v4  }
0x11b: {  	vm15 =	vgt.s32 v4, $0x3F  }
0x11c: {  	v1 =	vsel vm15, v3, v1;
	v2 =	vsel vm15, v2, v3  }
0x11d: {  	[tilespmem:$0x4000] =	vst v1;
	s9 =	simm.s32 $0x0  }
0x11e: {  	[hbm4b:s29+s9] =	stream.linear.scatter [tilespmem:s7], [sflag:$0x1], $0x80, $0x38;
	[tilespmem:$0x4080] =	vst v63  }
0x11f: {  	_ =	swait.ge [sflag:s6], $0x80  }
0x120: {  	[sflag:s6] =	ssyncset.done $0x0  }
0x121: {  	[sflag:s6] =	ssyncadd.s32 $0xFFFFFF80  }
0x122: {  	[tilespmem:s9], [sflag:$0x1] =	stream.strided.gather [hbm4b:s12+s4], $0x4000, s5, s4, $0x38;
	[tilespmem:$0x4080] =	vst v63  }
0x123: {  	_ =	swait.ge [sflag:s6], $0x4000  }
0x124: {  	[sflag:s6] =	ssyncset.done $0x0  }
0x125: {  	v1 =	vimm.s32 $0x0;
	v2 =	vimm.s32 $0x7F800000;
	[sflag:s6] =	ssyncadd.s32 $0xFFFFC000  }
.LBB2_42:
0x126: {  	v3 =	vsub.s32 v2, v1;
	s11 =	simm.s32 $0x0  }
0x127: {  	v3 =	vshra.s32 v3, $0x1;
	v5 =	vld [tilespmem:s11+$0x0]  }
0x128: {  	s10 =	simm.s32 $0x40;
	v4 =	vimm.s32 $0x0;
	v3 =	vadd.s32 v1, v3  }
.LBB2_43:
0x129: {  	p0 =	sne.s32 s10, $0xFFC0  }
.Ltmp20:
0x12a: {  	_ = 	snop;
	(pc) =	sbr.rel @p0 .LBB2_43-.Ltmp20, $4  }
0x12b: {  	_ = 	snop  }
0x12c: {  	s11 =	sshra.s32 s10, $0x2;
	s10 =	sadd.s32 $0x40, s10;
	vm0 =	vge.s32 v5, v3  }
0x12d: {  	v5 =	vld [tilespmem:s11+$0x0];
	v6 =	vsel vm0, $0x1, v0  }
0x12e: {  	v4 =	vadd.s32 v6, v4  }
0x12f: {  	_ = 	snop  }
0x130: {  	s9 =	sadd.s32 $0x1, s9  }
0x131: {  	p0 =	sne.s32 s9, $0x1F  }
.Ltmp21:
0x132: {  	vm0 =	vge.s32 v5, v3;
	(pc) =	sbr.rel @p0 .LBB2_42-.Ltmp21, $4  }
0x133: {  	v5 =	vsel vm0, $0x1, v0  }
0x134: {  	v4 =	vadd.s32 v5, v4  }
0x135: {  	vm15 =	vgt.s32 v4, $0x3F  }
0x136: {  	v1 =	vsel vm15, v3, v1;
	v2 =	vsel vm15, v2, v3  }
0x137: {  	[tilespmem:$0x4000] =	vst v1;
	s9 =	simm.s32 $0x0  }
0x138: {  	[hbm4b:s30+s9] =	stream.linear.scatter [tilespmem:s7], [sflag:$0x1], $0x80, $0x38;
	[tilespmem:$0x4080] =	vst v63  }
0x139: {  	_ =	swait.ge [sflag:s6], $0x80  }
0x13a: {  	[sflag:s6] =	ssyncset.done $0x0  }
0x13b: {  	[sflag:s6] =	ssyncadd.s32 $0xFFFFFF80  }
0x13c: {  	[tilespmem:s9], [sflag:$0x1] =	stream.strided.gather [hbm4b:s13+s4], $0x4000, s5, s4, $0x38;
	[tilespmem:$0x4080] =	vst v63  }
0x13d: {  	_ =	swait.ge [sflag:s6], $0x4000  }
0x13e: {  	[sflag:s6] =	ssyncset.done $0x0  }
0x13f: {  	v1 =	vimm.s32 $0x0;
	v2 =	vimm.s32 $0x7F800000;
	[sflag:s6] =	ssyncadd.s32 $0xFFFFC000  }
.LBB2_46:
0x140: {  	v3 =	vsub.s32 v2, v1;
	s11 =	simm.s32 $0x0  }
0x141: {  	v3 =	vshra.s32 v3, $0x1;
	v5 =	vld [tilespmem:s11+$0x0]  }
0x142: {  	s10 =	simm.s32 $0x40;
	v4 =	vimm.s32 $0x0;
	v3 =	vadd.s32 v1, v3  }
.LBB2_47:
0x143: {  	p0 =	sne.s32 s10, $0xFFC0  }
.Ltmp22:
0x144: {  	_ = 	snop;
	(pc) =	sbr.rel @p0 .LBB2_47-.Ltmp22, $4  }
0x145: {  	_ = 	snop  }
0x146: {  	s11 =	sshra.s32 s10, $0x2;
	s10 =	sadd.s32 $0x40, s10;
	vm0 =	vge.s32 v5, v3  }
0x147: {  	v5 =	vld [tilespmem:s11+$0x0];
	v6 =	vsel vm0, $0x1, v0  }
0x148: {  	v4 =	vadd.s32 v6, v4  }
0x149: {  	_ = 	snop  }
0x14a: {  	s9 =	sadd.s32 $0x1, s9  }
0x14b: {  	p0 =	sne.s32 s9, $0x1F  }
.Ltmp23:
0x14c: {  	vm0 =	vge.s32 v5, v3;
	(pc) =	sbr.rel @p0 .LBB2_46-.Ltmp23, $4  }
0x14d: {  	v5 =	vsel vm0, $0x1, v0  }
0x14e: {  	v4 =	vadd.s32 v5, v4  }
0x14f: {  	vm15 =	vgt.s32 v4, $0x3F  }
0x150: {  	v1 =	vsel vm15, v3, v1;
	v2 =	vsel vm15, v2, v3  }
0x151: {  	[tilespmem:$0x4000] =	vst v1;
	s9 =	simm.s32 $0x0  }
0x152: {  	[hbm4b:s31+s9] =	stream.linear.scatter [tilespmem:s7], [sflag:$0x1], $0x80, $0x38;
	[tilespmem:$0x4080] =	vst v63  }
0x153: {  	_ =	swait.ge [sflag:s6], $0x80  }
0x154: {  	[sflag:s6] =	ssyncset.done $0x0  }
0x155: {  	[sflag:s6] =	ssyncadd.s32 $0xFFFFFF80  }
0x156: {  	[tilespmem:s9], [sflag:$0x1] =	stream.strided.gather [hbm4b:s14+s4], $0x4000, s5, s4, $0x38;
	[tilespmem:$0x4080] =	vst v63  }
0x157: {  	_ =	swait.ge [sflag:s6], $0x4000  }
0x158: {  	[sflag:s6] =	ssyncset.done $0x0  }
0x159: {  	v1 =	vimm.s32 $0x0;
	v2 =	vimm.s32 $0x7F800000;
	[sflag:s6] =	ssyncadd.s32 $0xFFFFC000  }
.LBB2_50:
0x15a: {  	v3 =	vsub.s32 v2, v1;
	s11 =	simm.s32 $0x0  }
0x15b: {  	v3 =	vshra.s32 v3, $0x1;
	v5 =	vld [tilespmem:s11+$0x0]  }
0x15c: {  	s10 =	simm.s32 $0x40;
	v4 =	vimm.s32 $0x0;
	v3 =	vadd.s32 v1, v3  }
.LBB2_51:
0x15d: {  	p0 =	sne.s32 s10, $0xFFC0  }
.Ltmp24:
0x15e: {  	_ = 	snop;
	(pc) =	sbr.rel @p0 .LBB2_51-.Ltmp24, $4  }
0x15f: {  	_ = 	snop  }
0x160: {  	s11 =	sshra.s32 s10, $0x2;
	s10 =	sadd.s32 $0x40, s10;
	vm0 =	vge.s32 v5, v3  }
0x161: {  	v5 =	vld [tilespmem:s11+$0x0];
	v6 =	vsel vm0, $0x1, v0  }
0x162: {  	v4 =	vadd.s32 v6, v4  }
0x163: {  	_ = 	snop  }
0x164: {  	s9 =	sadd.s32 $0x1, s9  }
0x165: {  	p0 =	sne.s32 s9, $0x1F  }
.Ltmp25:
0x166: {  	vm0 =	vge.s32 v5, v3;
	(pc) =	sbr.rel @p0 .LBB2_50-.Ltmp25, $4  }
0x167: {  	v5 =	vsel vm0, $0x1, v0  }
0x168: {  	v4 =	vadd.s32 v5, v4  }
0x169: {  	vm15 =	vgt.s32 v4, $0x3F  }
0x16a: {  	v1 =	vsel vm15, v3, v1;
	v2 =	vsel vm15, v2, v3  }
0x16b: {  	[tilespmem:$0x4000] =	vst v1;
	s9 =	simm.s32 $0x0  }
0x16c: {  	[hbm4b:s26+s9] =	stream.linear.scatter [tilespmem:s7], [sflag:$0x1], $0x80, $0x38;
	[tilespmem:$0x4080] =	vst v63  }
0x16d: {  	_ =	swait.ge [sflag:s6], $0x80  }
0x16e: {  	[sflag:s6] =	ssyncset.done $0x0  }
0x16f: {  	[sflag:s6] =	ssyncadd.s32 $0xFFFFFF80  }
0x170: {  	[tilespmem:s9], [sflag:$0x1] =	stream.strided.gather [hbm4b:s15+s4], $0x4000, s5, s4, $0x38;
	[tilespmem:$0x4080] =	vst v63  }
0x171: {  	_ =	swait.ge [sflag:s6], $0x4000  }
0x172: {  	[sflag:s6] =	ssyncset.done $0x0  }
0x173: {  	v1 =	vimm.s32 $0x0;
	v2 =	vimm.s32 $0x7F800000;
	[sflag:s6] =	ssyncadd.s32 $0xFFFFC000  }
.LBB2_54:
0x174: {  	v3 =	vsub.s32 v2, v1;
	s11 =	simm.s32 $0x0  }
0x175: {  	v3 =	vshra.s32 v3, $0x1;
	v5 =	vld [tilespmem:s11+$0x0]  }
0x176: {  	s10 =	simm.s32 $0x40;
	v4 =	vimm.s32 $0x0;
	v3 =	vadd.s32 v1, v3  }
.LBB2_55:
0x177: {  	p0 =	sne.s32 s10, $0xFFC0  }
.Ltmp26:
0x178: {  	_ = 	snop;
	(pc) =	sbr.rel @p0 .LBB2_55-.Ltmp26, $4  }
0x179: {  	_ = 	snop  }
0x17a: {  	s11 =	sshra.s32 s10, $0x2;
	s10 =	sadd.s32 $0x40, s10;
	vm0 =	vge.s32 v5, v3  }
0x17b: {  	v5 =	vld [tilespmem:s11+$0x0];
	v6 =	vsel vm0, $0x1, v0  }
0x17c: {  	v4 =	vadd.s32 v6, v4  }
0x17d: {  	_ = 	snop  }
0x17e: {  	s9 =	sadd.s32 $0x1, s9  }
0x17f: {  	p0 =	sne.s32 s9, $0x1F  }
.Ltmp27:
0x180: {  	vm0 =	vge.s32 v5, v3;
	(pc) =	sbr.rel @p0 .LBB2_54-.Ltmp27, $4  }
0x181: {  	v5 =	vsel vm0, $0x1, v0  }
0x182: {  	v4 =	vadd.s32 v5, v4  }
0x183: {  	vm15 =	vgt.s32 v4, $0x3F  }
0x184: {  	v1 =	vsel vm15, v3, v1;
	v2 =	vsel vm15, v2, v3  }
0x185: {  	[tilespmem:$0x4000] =	vst v1;
	s9 =	simm.s32 $0x0  }
0x186: {  	[hbm4b:s0+s9] =	stream.linear.scatter [tilespmem:s7], [sflag:$0x1], $0x80, $0x38;
	[tilespmem:$0x4080] =	vst v63  }
0x187: {  	_ =	swait.ge [sflag:s6], $0x80  }
0x188: {  	[sflag:s6] =	ssyncset.done $0x0  }
0x189: {  	[sflag:s6] =	ssyncadd.s32 $0xFFFFFF80  }
0x18a: {  	[tilespmem:s9], [sflag:$0x1] =	stream.strided.gather [hbm4b:s16+s4], $0x4000, s5, s4, $0x38;
	[tilespmem:$0x4080] =	vst v63  }
0x18b: {  	_ =	swait.ge [sflag:s6], $0x4000  }
0x18c: {  	[sflag:s6] =	ssyncset.done $0x0  }
0x18d: {  	v1 =	vimm.s32 $0x0;
	v2 =	vimm.s32 $0x7F800000;
	[sflag:s6] =	ssyncadd.s32 $0xFFFFC000  }
.LBB2_58:
0x18e: {  	v3 =	vsub.s32 v2, v1;
	s11 =	simm.s32 $0x0  }
0x18f: {  	v3 =	vshra.s32 v3, $0x1;
	v5 =	vld [tilespmem:s11+$0x0]  }
0x190: {  	s10 =	simm.s32 $0x40;
	v4 =	vimm.s32 $0x0;
	v3 =	vadd.s32 v1, v3  }
.LBB2_59:
0x191: {  	p0 =	sne.s32 s10, $0xFFC0  }
.Ltmp28:
0x192: {  	_ = 	snop;
	(pc) =	sbr.rel @p0 .LBB2_59-.Ltmp28, $4  }
0x193: {  	_ = 	snop  }
0x194: {  	s11 =	sshra.s32 s10, $0x2;
	s10 =	sadd.s32 $0x40, s10;
	vm0 =	vge.s32 v5, v3  }
0x195: {  	v5 =	vld [tilespmem:s11+$0x0];
	v6 =	vsel vm0, $0x1, v0  }
0x196: {  	v4 =	vadd.s32 v6, v4  }
0x197: {  	_ = 	snop  }
0x198: {  	s9 =	sadd.s32 $0x1, s9  }
0x199: {  	p0 =	sne.s32 s9, $0x1F  }
.Ltmp29:
0x19a: {  	vm0 =	vge.s32 v5, v3;
	(pc) =	sbr.rel @p0 .LBB2_58-.Ltmp29, $4  }
0x19b: {  	v5 =	vsel vm0, $0x1, v0  }
0x19c: {  	v4 =	vadd.s32 v5, v4  }
0x19d: {  	vm15 =	vgt.s32 v4, $0x3F  }
0x19e: {  	v1 =	vsel vm15, v3, v1;
	v2 =	vsel vm15, v2, v3  }
0x19f: {  	[tilespmem:$0x4000] =	vst v1;
	s9 =	simm.s32 $0x0  }
0x1a0: {  	[hbm4b:s1+s9] =	stream.linear.scatter [tilespmem:s7], [sflag:$0x1], $0x80, $0x38;
	[tilespmem:$0x4080] =	vst v63  }
0x1a1: {  	_ =	swait.ge [sflag:s6], $0x80  }
0x1a2: {  	[sflag:s6] =	ssyncset.done $0x0  }
0x1a3: {  	[sflag:s6] =	ssyncadd.s32 $0xFFFFFF80  }
0x1a4: {  	[tilespmem:s9], [sflag:$0x1] =	stream.strided.gather [hbm4b:s17+s4], $0x4000, s5, s4, $0x38;
	[tilespmem:$0x4080] =	vst v63  }
0x1a5: {  	_ =	swait.ge [sflag:s6], $0x4000  }
0x1a6: {  	[sflag:s6] =	ssyncset.done $0x0  }
0x1a7: {  	v1 =	vimm.s32 $0x0;
	v2 =	vimm.s32 $0x7F800000;
	[sflag:s6] =	ssyncadd.s32 $0xFFFFC000  }
.LBB2_62:
0x1a8: {  	v3 =	vsub.s32 v2, v1;
	s11 =	simm.s32 $0x0  }
0x1a9: {  	v3 =	vshra.s32 v3, $0x1;
	v5 =	vld [tilespmem:s11+$0x0]  }
0x1aa: {  	s10 =	simm.s32 $0x40;
	v4 =	vimm.s32 $0x0;
	v3 =	vadd.s32 v1, v3  }
.LBB2_63:
0x1ab: {  	p0 =	sne.s32 s10, $0xFFC0  }
.Ltmp30:
0x1ac: {  	_ = 	snop;
	(pc) =	sbr.rel @p0 .LBB2_63-.Ltmp30, $4  }
0x1ad: {  	_ = 	snop  }
0x1ae: {  	s11 =	sshra.s32 s10, $0x2;
	s10 =	sadd.s32 $0x40, s10;
	vm0 =	vge.s32 v5, v3  }
0x1af: {  	v5 =	vld [tilespmem:s11+$0x0];
	v6 =	vsel vm0, $0x1, v0  }
0x1b0: {  	v4 =	vadd.s32 v6, v4  }
0x1b1: {  	_ = 	snop  }
0x1b2: {  	s9 =	sadd.s32 $0x1, s9  }
0x1b3: {  	p0 =	sne.s32 s9, $0x1F  }
.Ltmp31:
0x1b4: {  	vm0 =	vge.s32 v5, v3;
	(pc) =	sbr.rel @p0 .LBB2_62-.Ltmp31, $4  }
0x1b5: {  	v5 =	vsel vm0, $0x1, v0  }
0x1b6: {  	v4 =	vadd.s32 v5, v4  }
0x1b7: {  	vm15 =	vgt.s32 v4, $0x3F  }
0x1b8: {  	v1 =	vsel vm15, v3, v1;
	v2 =	vsel vm15, v2, v3  }
0x1b9: {  	s8 =	sadd.s32 $0x1, s8  }
0x1ba: {  	p0 =	sne.s32 s8, s3  }
.Ltmp32:
0x1bb: {  	[tilespmem:$0x4000] =	vst v1;
	s11 =	simm.s32 $0x0;
	(pc) =	sbr.rel @p0 .LBB2_1-.Ltmp32, $4  }
0x1bc: {  	[hbm4b:s2+s11] =	stream.linear.scatter [tilespmem:s7], [sflag:$0x1], $0x80, $0x38;
	[tilespmem:$0x4080] =	vst v63  }
0x1bd: {  	_ =	swait.ge [sflag:s6], $0x80  }
0x1be: {  	[sflag:s6] =	ssyncset.done $0x0  }
0x1bf: {  	[sflag:s6] =	ssyncadd.s32 $0xFFFFFF80  }
0x1c0: {  	_ =	sfence.sel $0x180000  }
0x1c1: {  	[bflag:$0x0] =	sbarrier.arrive $0xFFFF  }
0x1c2: {  	_ =	strace $0x9000004A  }
0x1c3: {  	s0 =	stileid.u32;
	[bflag:$0x2] =	sbarrier.arrive $0xFFFF  }
0x1c4: {  	p0 =	sne.s32 s0, $0x0;
	s0 =	rddreg [dreg:$0x2]  }
0x1c5: {  	s0 =	sadd.s32 @!p0 $0x100000, s0  }
0x1c6: {  	[sflag:s0] =	ssyncadd.tile.s32 @!p0 $0x1;
	_ =	shalt  }
.Lfunc_end2:
_tile_overlayer_lowered:
.L_overlay_start_2:
0x1c7: {  	(tag) =	ssettag $0x2  }
0x1c8: {  	s0 =	rddreg [dreg:$0x0];
	s2 =	stileid.u32  }
0x1c9: {  	s1 =	rddreg [dreg:$0x1];
	p0 =	sne.s32 s2, $0x0  }
0x1ca: {  	s3 =	rddreg [dreg:$0x2];
	[bflag:$0x3] =	sbarrier.arrive $0xFFFF;
	s2 =	simm.s32 @!p0 $0x1C01  }
0x1cb: {  	[timem:s3], [sflag:s2] =	dma.local @!p0 [hbm:s0], s1  }
0x1cc: {  	s0 =	simm.s32 @!p0 $0x1  }
0x1cd: {  	_ =	swait.ge @!p0 [sflag:s0], s1  }
0x1ce: {  	s1 =	ssub.s32 @!p0 $0x0, s1;
	[sflag:s0] =	ssyncset.done @!p0 $0x0  }
0x1cf: {  	[sflag:s0] =	ssyncadd.s32 @!p0 s1  }
0x1d0: {  	[bflag:$0x3] =	sbarrier.arrive $0xFFFF  }
0x1d1: {  	_ =	shalt  }

// kernel: sparse-core-data-format-call.cloned.1.call-start
scs
called_computation_lowered:
.L_overlay_start_0:
0x0: {  	s2 =	sld [smem:$0x3FD9]  }
0x1: {  	s3 =	sld [smem:$0x3FFE];
	_ =	sdelay $0x1  }
0x2: {  	s1 =	srdreg.scid  }
0x3: {  	s0 =	sand.u32 $0x1, s1  }
0x4: {  	s18 =	sshll.u32 s0, $0xA;
	s2 =	sadd.s32 s3, s2  }
0x5: {  	s2 =	sadd.s32 s2, s18  }
0x6: {  	[smem:$0x3FC7] =	sst s2  }
0x7: {  	_ = 	snop  }
0x8: {  	s2 =	sld [smem:$0x3FD0];
	(tm) =	ssettm $0x1  }
0x9: {  	s19 =	sld [smem:$0x3FFB];
	_ =	sdelay $0x3  }
0xa: {  	_ =	strace s19  }
0xb: {  	s3 =	sld [smem:$0x3FFC];
	_ =	sdelay $0x3  }
0xc: {  	_ =	strace s3  }
0xd: {  	s3 =	sld [smem:$0x3FFD];
	_ =	sdelay $0x3  }
0xe: {  	_ =	strace s3  }
0xf: {  	_ =	strace $0x8FFFFFFF  }
0x10: {  	s20 =	sld [smem:$0x3FDB];
	_ =	sdelay $0x1  }
0x11: {  	s4 =	simm.s32 $_scs_section_size  }
0x12: {  	s5 =	simm.s32 $_size__tile_overlayer_lowered;
	s6 =	simm.s32 $_tile_overlayer_lowered  }
0x13: {  	s23 =	simm.s32 $0x1BFF;
	s22 =	sshll.u32 s6, $0x1;
	s3 =	sadd.s32 s4, s20  }
0x14: {  	s7 =	simm.s32 $0x0;
	s21 =	sshll.u32 s5, $0x1;
	s5 =	sadd.s32 s22, s3  }
0x15: {  	[timem:s7], [sflag:s23] =	dma.local [hbm:s5], s21  }
0x16: {  	_ =	swait.ge [sflag:s23], s21  }
0x17: {  	s4 =	ssub.s32 $0x0, s21;
	[sflag:s23] =	ssyncset.done $0x0  }
0x18: {  	[sflag:s23] =	ssyncadd.s32 s4;
	_ =	sdelay $0x1  }
0x19: {  	s24 =	simm.s32 $0x1B8B  }
0x1a: {  	_ =	swait.ge [sflag:s24], $0x1  }
0x1b: {  	[sflag:s24] =	ssyncset.done $0x0  }
0x1c: {  	s26 =	simm.s32 $0x1B8E;
	s25 =	sld [smem:$0x3FFE];
	[sflag:s24] =	ssyncadd.s32 $0xFFFFFFFF  }
0x1d: {  	s27 =	simm.s32 $execute0_lowered;
	[smem:$0x3FD2] =	sst s26  }
0x1e: {  	s5 =	sshll.u32 s27, $0x1;
	_ =	strace $0x80000046;
	[dreg:$0x1] =	wrdreg $0xFFFFFFFF  }
0x1f: {  	s28 =	simm.s32 $_size_execute0_lowered;
	s3 =	sadd.s32 s3, s5;
	[dreg:$0x0] =	wrdreg $0x0  }
0x20: {  	s5 =	sshll.u32 s28, $0x1;
	[dreg:$0x2] =	wrdreg s3  }
0x21: {  	[dreg:$0x3] =	wrdreg s5  }
0x22: {  	[dreg:$0x4] =	wrdreg $0xC0  }
0x23: {  	_ =	task [dreg:s7], $0x5FFFF  }
0x24: {  	[dreg:$0x1] =	wrdreg $0xFFFFFFFF  }
0x25: {  	[dreg:$0x0] =	wrdreg $0x60  }
0x26: {  	[dreg:$0x2] =	wrdreg s2  }
0x27: {  	[dreg:$0x3] =	wrdreg s25  }
0x28: {  	[dreg:$0x4] =	wrdreg $0x9  }
0x29: {  	_ =	task.clear_ibuf [dreg:s7], $0x5FFFF;
	_ =	strace $0x90000046  }
0x2a: {  	s29 =	simm.s32 $0x9;
	_ =	strace $0x80000048  }
0x2b: {  	_ =	swait.ge [sflag:s29], $0x1  }
0x2c: {  	[sflag:s29] =	ssyncadd.s32 $0xFFFFFFFF  }
0x2d: {  	_ =	strace $0x90000048  }
0x2e: {  	_ =	sfence  }
0x2f: {  	s30 =	sld [smem:$0x0];
	_ =	sdelay $0x2  }
0x30: {  	s31 =	sshll.u32 s1, $0xD;
	s1 =	sshrl.u32 s1, $0x2  }
0x31: {  	s3 =	sand.u32 $0x4000, s31;
	s1 =	sadd.s32 s1, s30  }
0x32: {  	s0 =	sor.u32 s3, s0;
	s1 =	sshll.u32 s1, $0x11  }
0x33: {  	s0 =	sor.u32 s1, s0  }
0x34: {  	s0 =	sadd.s32 $0x8F2B, s0  }
0x35: {  	[sflag:s0] =	ssyncadd.remote.s32 $0x1  }
0x36: {  	_ =	sfence.sel $0xFFFF  }
0x37: {  	[dreg:$0x0] =	wrdreg $0xFFFFFFFF;
	(pc) =	sbr.abs _section_cstart, $3  }
0x38: {  	[dreg:$0x1] =	wrdreg $0xFFFFFFFF  }
0x39: {  	_ =	task.clear_ibuf [dreg:s7], $0x2FFFF;
	_ =	strace $0x9FFFFFFF  }
0x3a: {  	(tm) =	ssettm $0x7FFFFFFF  }
0x3b: {  	_ =	shalt  }
tec
execute0_lowered:
.L_overlay_start_1:
0x0: {  	(tag) =	ssettag $0x1  }
0x1: {  	s0 =	srdreg.scid  }
0x2: {  	s1 =	sshll.u32 s0, $0x4  }
0x3: {  	s3 =	rddreg [dreg:$0x0];
	s0 =	stileid.u32;
	s1 =	sand.u32 $0x10, s1  }
0x4: {  	s6 =	rddreg [dreg:$0x1];
	s5 =	simm.s32 $0x1;
	s1 =	sor.u32 s0, s1  }
0x5: {  	s31 =	simm.s32 $0x2;
	s13 =	simm.s32 $0x0;
	s2 =	sshll.u32 s1, $0x7  }
0x6: {  	s8 =	simm.s32 $0x20000;
	s12 =	simm.s32 $0x0;
	s4 =	ssub.s32 $0x4000, s2  }
0x7: {  	s9 =	simm.s32 $0x0;
	s11 =	simm.s32 $0x0;
	s30 =	sand.u32 $0xF80, s4  }
.Ltmp0:
0x8: {  	s6 =	sadd.s32 $0x400, s6;
	p0 =	sne.s32 s30, $0x0;
	(pc) =	sbr.rel .LBB1_1-.Ltmp0, $4  }
0x9: {  	s1 =	rddreg [dreg:$0x2];
	s7 =	sshrl.u32 s4, $0xC;
	s5 =	simm.s32 @!p0 $0x0  }
0xa: {  	_ =	strace $0x80000047;
	s4 =	simm.s32 $0x1;
	s5 =	sadd.s32 s5, s7  }
0xb: {  	s10 =	smov.u32 s2;
	[sflag:s4] =	ssyncpa.u1 $0x0;
	s5 =	sshll.u32 s5, $0x2  }
0xc: {  	[sflag:s31] =	ssyncpa.u1 $0x0;
	p0 =	por $0x0, $0x0;
	s7 =	sor.u32 $0x1, s5  }
.LBB1_4:
0xd: {  	v5 =	vld [tilespmem:s16+$0xFFFFFFD0]  }
0xe: {  	[tilespmem:s17+$0x2040 ss:$0x81] =	vst.msk $0xffff, v1;
	v58 =	vld [tilespmem:s16+$0xFFFFFFE0]  }
0xf: {  	[tilespmem:s17+$0x2850 ss:$0x81] =	vst.msk $0xffff, v2;
	v59 =	vld [tilespmem:s16+$0xFFFFFFF0]  }
0x10: {  	s18 =	sshra.s32 s18, $0x2;
	[tilespmem:s17+$0x3060 ss:$0x81] =	vst.msk $0xffff, v3;
	v60 =	vld [tilespmem:s16+$0x0]  }
0x11: {  	[tilespmem:s17+$0x0 ss:$0x81] =	vst.msk $0xffff, v0;
	v61 =	vld [tilespmem:s16+$0x10];
	s15 =	sadd.s32 s18, s15  }
0x12: {  	s26 =	sshll.u32 s13, $0xE;
	v62 =	vld [tilespmem:s16+$0x20];
	[tilespmem:s15+$0x3870 ss:$0x81] =	vst.msk $0xffff, v4  }
0x13: {  	s27 =	sand.u32 $0x78, s12;
	s19 =	sshll.u32 s12, $0x3;
	v63 =	vld [tilespmem:s16+$0xFFFFFFC0];
	s29 =	sshll.u32 s13, $0x7;
	[tilespmem:s15+$0x810 ss:$0x81] =	vst.msk $0xffff, v5  }
0x14: {  	s17 =	sand.u32 $0x7E0000, s26;
	s28 =	sand.u32 $0x7FFC00, s19;
	s19 =	sand.u32 $0x3C00, s19;
	[tilespmem:s15+$0x1020 ss:$0x81] =	vst.msk $0xffff, v58  }
0x15: {  	s13 =	sand.u32 $0x380, s29;
	s16 =	sadd.s32 s28, s17;
	s30 =	sor.u32 s27, s19;
	[tilespmem:s15+$0x1830 ss:$0x81] =	vst.msk $0xffff, v59  }
0x16: {  	s16 =	sand.u32 $0x7FC000, s16;
	s13 =	sor.u32 s13, s30;
	[tilespmem:s15+$0x2040 ss:$0x81] =	vst.msk $0xffff, v60  }
0x17: {  	s31 =	sand.u32 $0x7, s12;
	s13 =	sor.u32 s16, s13;
	[tilespmem:s15+$0x2850 ss:$0x81] =	vst.msk $0xffff, v61  }
0x18: {  	s12 =	sshll.u32 s31, $0x12;
	[tilespmem:s15+$0x3060 ss:$0x81] =	vst.msk $0xffff, v62;
	s13 =	sshrl.u32 s13, $0x3  }
0x19: {  	s12 =	sor.u32 $0x400, s12;
	[tilespmem:s15+$0x0 ss:$0x81] =	vst.msk $0xffff, v63;
	s13 =	sadd.s32 s6, s13  }
0x1a: {  	[hbm4b:s13+s12] =	stream.strided.scatter [tilespmem:s14], [sflag:$0x2], $0x4000, s8, s12, $0x20;
	[tilespmem:$0x10100] =	vst v63  }
.LBB1_5:
0x1b: {  	s14 =	sadd.s32 $0x80, s9  }
0x1c: {  	s12 =	sadd.s32 $0x1000, s10;
	s16 =	smov.u32 s10;
	p2 =	sgt.s32 s14, $0x1FF  }
0x1d: {  	s16 =	smov.u32 @p2 s12  }
0x1e: {  	s14 =	simm.s32 @p2 $0x0;
	p2 =	sgt.s32 s16, $0x3FFF  }
0x1f: {  	s16 =	smov.u32 @p2 s2;
	p2 =	sne.s32 s11, s7  }
.Ltmp1:
0x20: {  	p1 =	slt.u32 s11, $0x2;
	(pc) =	sbr.rel @!p2 .LBB1_6-.Ltmp1, $4  }
0x21: {  	s15 =	simm.s32 @!p1 $0x2  }
0x22: {  	s13 =	smov.u32 s9;
	p0 =	por !p0, !p0;
	_ =	swait.ge @!p1 [sflag:s15], $0x4000  }
0x23: {  	s12 =	smov.u32 s10;
	[sflag:s15] =	ssyncset.done @!p1 $0x0;
	s9 =	smov.u32 s14  }
0x24: {  	s11 =	sadd.s32 $0x1, s11;
	[sflag:s15] =	ssyncadd.s32 @!p1 $0xFFFFC000;
	s10 =	smov.u32 s16  }
.LBB1_1:
0x25: {  	p1 =	sge.u32 s11, s5  }
0x26: {  	s31 =	sadd.s32 $0xFFFFFFFF, s11;
	s14 =	sshll.u32 @!p1 s10, $0x9  }
0x27: {  	s15 =	sshll.u32 @!p1 s9, $0x3;
	s16 =	sshll.u32 @!p1 s10, $0x7;
	s14 =	sand.u32 @!p1 $0x7FF000, s14  }
0x28: {  	s17 =	sand.u32 @!p1 $0x78, s9;
	s14 =	sadd.s32 @!p1 s14, s15;
	s15 =	sand.u32 @!p1 $0x380, s16  }
0x29: {  	s16 =	sxor.u32 @!p1 $0xFFFFFFFF, s11;
	s14 =	sand.u32 @!p1 $0x7FFC00, s14;
	s15 =	sor.u32 @!p1 s15, s17  }
0x2a: {  	s16 =	sshll.u32 @!p1 s16, $0xE;
	s14 =	sor.u32 @!p1 s14, s15;
	s15 =	sand.u32 @!p1 $0x7, s9  }
0x2b: {  	s17 =	simm.s32 @!p1 $0x1000;
	s14 =	sshrl.u32 @!p1 s14, $0x3;
	s15 =	sshll.u32 @!p1 s15, $0x12  }
0x2c: {  	s16 =	sand.u32 @!p1 $0x4000, s16;
	s14 =	sadd.s32 @!p1 s3, s14;
	s15 =	sor.u32 @!p1 $0x400, s15  }
0x2d: {  	[tilespmem:s16], [sflag:$0x1] =	stream.strided.gather @!p1 [hbm4b:s14+s15], $0x4000, s17, s15, $0x38;
	[tilespmem:$0x10100] =	vst v63  }
0x2e: {  	p1 =	sge.u32 s31, s5  }
.Ltmp2:
0x2f: {  	_ = 	snop;
	(pc) =	sbr.rel @p1 .LBB1_5-.Ltmp2, $1  }
0x30: {  	_ =	sdelay $0x3  }
0x31: {  	s14 =	simm.s32 $0x1  }
0x32: {  	_ =	swait.ge [sflag:s4], $0x4000;
	s14 =	simm.s32 @!p0 $0x0  }
0x33: {  	[sflag:s4] =	ssyncset.done $0x0;
	s15 =	sshll.u32 s14, $0xE  }
0x34: {  	[sflag:s4] =	ssyncadd.s32 $0xFFFFC000;
	s16 =	sor.u32 $0x40, s15  }
0x35: {  	s14 =	smul.u32 $0x10200, s14;
	v0 =	vld [tilespmem:s16+$0x30]  }
0x36: {  	v3 =	vld [tilespmem:s16+$0xFFFFFFD0]  }
0x37: {  	s14 =	sshrl.u32 s14, $0x2;
	v4 =	vld [tilespmem:s16+$0xFFFFFFE0]  }
0x38: {  	v5 =	vld [tilespmem:s16+$0xFFFFFFF0];
	s15 =	sor.u32 $0x8000, s14  }
0x39: {  	s31 =	sand.u32 $0x1, s11;
	v1 =	vld [tilespmem:s16+$0x0];
	s17 =	sadd.s32 $0x0, s15  }
0x3a: {  	v2 =	vld [tilespmem:s16+$0x10];
	s14 =	smul.u32 $0x10200, s31;
	[tilespmem:s17+$0x3870 ss:$0x81] =	vst.msk $0xffff, v0  }
0x3b: {  	[tilespmem:s17+$0x810 ss:$0x81] =	vst.msk $0xffff, v3;
	v3 =	vld [tilespmem:s16+$0x20]  }
0x3c: {  	s14 =	sshrl.u32 s14, $0x2;
	v0 =	vld [tilespmem:s16+$0xFFFFFFC0];
	[tilespmem:s17+$0x1020 ss:$0x81] =	vst.msk $0xffff, v4;
	s16 =	sadd.s32 $0x80, s16  }
0x3d: {  	s18 =	simm.s32 $0x4;
	s19 =	simm.s32 $0x8;
	s14 =	sor.u32 $0x8000, s14;
	[tilespmem:s17+$0x1830 ss:$0x81] =	vst.msk $0xffff, v5;
	v4 =	vld [tilespmem:s16+$0x30]  }
.LBB1_3:
0x3e: {  	p1 =	sne.s32 s19, $0x1FC;
	v5 =	vld [tilespmem:s16+$0xFFFFFFD0];
	[tilespmem:s17+$0x2040 ss:$0x81] =	vst.msk $0xffff, v1  }
0x3f: {  	v6 =	vld [tilespmem:s16+$0xFFFFFFE0];
	[tilespmem:s17+$0x2850 ss:$0x81] =	vst.msk $0xffff, v2  }
0x40: {  	s20 =	sshra.s32 s18, $0x2;
	s18 =	smov.u32 s19;
	v7 =	vld [tilespmem:s16+$0xFFFFFFF0];
	[tilespmem:s17+$0x3060 ss:$0x81] =	vst.msk $0xffff, v3  }
.Ltmp3:
0x41: {  	v1 =	vld [tilespmem:s16+$0x0];
	[tilespmem:s17+$0x0 ss:$0x81] =	vst.msk $0xffff, v0;
	s17 =	sadd.s32 s20, s15;
	(pc) =	sbr.rel @p1 .LBB1_3-.Ltmp3, $4  }
0x42: {  	v2 =	vld [tilespmem:s16+$0x10];
	[tilespmem:s17+$0x3870 ss:$0x81] =	vst.msk $0xffff, v4  }
0x43: {  	[tilespmem:s17+$0x810 ss:$0x81] =	vst.msk $0xffff, v5;
	v3 =	vld [tilespmem:s16+$0x20]  }
0x44: {  	v0 =	vld [tilespmem:s16+$0xFFFFFFC0];
	[tilespmem:s17+$0x1020 ss:$0x81] =	vst.msk $0xffff, v6;
	s16 =	sadd.s32 $0x80, s16  }
0x45: {  	s19 =	sadd.s32 $0x4, s19;
	v4 =	vld [tilespmem:s16+$0x30];
	[tilespmem:s17+$0x1830 ss:$0x81] =	vst.msk $0xffff, v7  }
.Ltmp4:
0x46: {  	_ = 	snop;
	(pc) =	sbr.rel .LBB1_4-.Ltmp4, $1  }
0x47: {  	_ =	sdelay $0x3  }
.LBB1_6:
0x48: {  	_ =	sfence.sel $0x180000  }
0x49: {  	s2 =	simm.s32 $0x1;
	[bflag:$0x0] =	sbarrier.arrive $0xFFFF  }
0x4a: {  	s31 =	simm.s32 $0x2;
	[sflag:s2] =	ssyncpa.u1 $0x1  }
0x4b: {  	[sflag:s31] =	ssyncpa.u1 $0x1  }
0x4c: {  	p0 =	sne.s32 s0, $0x0;
	_ =	strace $0x90000047  }
0x4d: {  	s0 =	sadd.s32 @!p0 $0x100000, s1;
	[bflag:$0x2] =	sbarrier.arrive $0xFFFF  }
0x4e: {  	[sflag:s0] =	ssyncadd.tile.s32 @!p0 $0x1;
	_ =	shalt  }
.Lfunc_end1:
_tile_overlayer_lowered:
.L_overlay_start_2:
0x4f: {  	(tag) =	ssettag $0x2  }
0x50: {  	s0 =	rddreg [dreg:$0x0];
	s2 =	stileid.u32  }
0x51: {  	s1 =	rddreg [dreg:$0x1];
	p0 =	sne.s32 s2, $0x0  }
0x52: {  	s3 =	rddreg [dreg:$0x2];
	[bflag:$0x3] =	sbarrier.arrive $0xFFFF;
	s2 =	simm.s32 @!p0 $0x1C01  }
0x53: {  	[timem:s3], [sflag:s2] =	dma.local @!p0 [hbm:s0], s1  }
0x54: {  	s0 =	simm.s32 @!p0 $0x1  }
0x55: {  	_ =	swait.ge @!p0 [sflag:s0], s1  }
0x56: {  	s1 =	ssub.s32 @!p0 $0x0, s1;
	[sflag:s0] =	ssyncset.done @!p0 $0x0  }
0x57: {  	[sflag:s0] =	ssyncadd.s32 @!p0 s1  }
0x58: {  	[bflag:$0x3] =	sbarrier.arrive $0xFFFF  }
0x59: {  	_ =	shalt  }

</sc_bundles>
